<compile_context>
chip_gen: v7x
topology: tpu7x:2x2x1
jax: 0.10.2.dev20260603
libtpu: 0.0.44.dev20260713+nightly
codegen_flags: <defaults>
</compile_context>

<pallas_src>
import functools

import jax
import jax.numpy as jnp
from jax import lax
from jax.experimental import pallas as pl
from jax.experimental.pallas import tpu as pltpu
from jax.experimental.pallas import tpu_sc as plsc

_VOCAB = 1000
_D = 300
_K = 64
_B = 4096
_L = 50
_O = 14

_NWORD = _K // 2
_WSTRIDE = _NWORD + 1

_NW = 32
_BPW = _B // _NW
_NG = _BPW // 16



def _proj_body(table_ref, w1_ref, gamma_ref, rv_ref, t2_ref):
    inv = gamma_ref[...] * lax.rsqrt(rv_ref[...] + 1e-5)
    mm = lax.dot_general(
        table_ref[...], w1_ref[...],
        dimension_numbers=(((1,), (1,)), ((), ())),
        preferred_element_type=jnp.float32)
    t2_ref[...] = (mm * (inv * (1.0 / _L))).astype(jnp.bfloat16)



def _sc_pool_body(xT_hbm, t2_hbm, out_hbm, x_v, t2_v, acc_v, sem):
    wid = lax.axis_index("s") * 2 + lax.axis_index("c")
    base = wid * _BPW

    t2_cp = pltpu.async_copy(t2_hbm, t2_v, sem)
    pltpu.sync_copy(xT_hbm.at[:, pl.ds(base, _BPW)], x_v)
    t2_cp.wait()

    zeros16 = jnp.zeros((16,), jnp.float32)

    def g_body(g, carry):
        gbase = g * 16

        for wc in range(2):
            def j_body(j, accs):
                idx = x_v[j, pl.ds(gbase, 16)] * _WSTRIDE + (wc * 16)
                new = list(accs)
                for w in range(16):
                    word = plsc.load_gather(t2_v, [idx + w])
                    lo, hi = plsc.unpack(
                        plsc.bitcast(word, jnp.bfloat16),
                        format=plsc.PackFormat.INTERLEAVED)
                    new[2 * w] = new[2 * w] + lo
                    new[2 * w + 1] = new[2 * w + 1] + hi
                return tuple(new)

            accs = lax.fori_loop(0, _L, j_body, (zeros16,) * 32)
            for i in range(32):
                acc_v[wc * 32 + i, pl.ds(gbase, 16)] = accs[i]
        return carry

    lax.fori_loop(0, _NG, g_body, 0)

    pltpu.sync_copy(acc_v, out_hbm.at[:, pl.ds(base, _BPW)])


_sc_pool = functools.partial(
    pl.kernel,
    out_type=jax.ShapeDtypeStruct((_K, _B), jnp.float32),
    mesh=plsc.VectorSubcoreMesh(core_axis_name="c", subcore_axis_name="s"),
    compiler_params=pltpu.CompilerParams(needs_layout_passes=False),
    scratch_types=[
        pltpu.VMEM((_L, _BPW), jnp.int32),
        pltpu.VMEM((_VOCAB * _WSTRIDE,), jnp.int32),
        pltpu.VMEM((_K, _BPW), jnp.float32),
        pltpu.SemaphoreType.DMA,
    ],
)(_sc_pool_body)



def _head_body(pooledT_ref, w2_ref, b1_ref, gamma_ref, beta_ref,
               rm_ref, rv_ref, b2_ref, out_ref):
    inv = gamma_ref[...] * lax.rsqrt(rv_ref[...] + 1e-5)
    c1 = b1_ref[...] * inv + beta_ref[...] - rm_ref[...] * inv
    h = pooledT_ref[...] + c1
    h = jnp.maximum(h, 0.0)
    out = lax.dot_general(
        w2_ref[...], h,
        dimension_numbers=(((1,), (0,)), ((), ())),
        preferred_element_type=jnp.float32)
    out_ref[...] = out + b2_ref[...]



def kernel(x, table, W1, b1, gamma, beta, running_mean, running_var, W2, b2):
    xT = jnp.transpose(x)
    t2 = pl.pallas_call(
        _proj_body,
        out_shape=jax.ShapeDtypeStruct((_VOCAB, _K), jnp.bfloat16),
    )(table, W1, gamma.reshape(1, _K), running_var.reshape(1, _K))

    t2_words = lax.bitcast_convert_type(
        t2.reshape(_VOCAB, _NWORD, 2), jnp.int32)
    t2_words = jnp.pad(t2_words, ((0, 0), (0, _WSTRIDE - _NWORD)))
    pooledT = _sc_pool(xT, t2_words.reshape(_VOCAB * _WSTRIDE))

    outT = pl.pallas_call(
        _head_body,
        out_shape=jax.ShapeDtypeStruct((_O, _B), jnp.float32),
    )(pooledT, W2,
      b1.reshape(_K, 1), gamma.reshape(_K, 1), beta.reshape(_K, 1),
      running_mean.reshape(_K, 1), running_var.reshape(_K, 1),
      b2.reshape(_O, 1))
    return jnp.transpose(outT)

# --- scband reference (transcript-rebuilt; emitter-appended) ---
"""Pipeline reference for scband-fast-text-83004537962583 (READ-ONLY COPY).

The authoritative reference and input builder live on the scoring server;
editing this copy changes nothing except your own understanding.
"""

import jax, jax.numpy as jnp
import numpy as np

VOCAB = 1000
EMBED_DIM = 300
HIDDEN_DIM = 64
OUT_DIM = 14
BATCH = 4096
SEQ = 50


def setup_inputs(seed: int = 0) -> dict:
    key = jax.random.key(seed)
    ks = jax.random.split(key, 8)
    x = jax.random.randint(ks[0], (BATCH, SEQ), 0, VOCAB, dtype=jnp.int64 if jax.config.jax_enable_x64 else jnp.int32).astype(jnp.int32)
    table = jax.random.normal(ks[1], (VOCAB, EMBED_DIM), dtype=jnp.float32) * 0.05
    W1 = jax.random.normal(ks[2], (HIDDEN_DIM, EMBED_DIM), dtype=jnp.float32) * 0.05
    b1 = jnp.zeros((HIDDEN_DIM,), dtype=jnp.float32)
    gamma = jnp.ones((HIDDEN_DIM,), dtype=jnp.float32)
    beta = jnp.zeros((HIDDEN_DIM,), dtype=jnp.float32)
    running_mean = jnp.zeros((HIDDEN_DIM,), dtype=jnp.float32)
    running_var = jnp.ones((HIDDEN_DIM,), dtype=jnp.float32)
    W2 = jax.random.normal(ks[3], (OUT_DIM, HIDDEN_DIM), dtype=jnp.float32) * 0.05
    b2 = jnp.zeros((OUT_DIM,), dtype=jnp.float32)
    return {"x": x, "table": table, "W1": W1, "b1": b1, "gamma": gamma, "beta": beta,
            "running_mean": running_mean, "running_var": running_var, "W2": W2, "b2": b2}


def reference(x, table, W1, b1, gamma, beta, running_mean, running_var, W2, b2):
    # embedding lookup (gather)
    emb = jnp.take(table, x, axis=0)            # [B, L, D]
    h = jnp.mean(emb, axis=1)                   # [B, D]
    # Linear(EMBED_DIM -> HIDDEN_DIM)
    h = h @ W1.T + b1
    # Dropout(0.5): identity in eval mode
    # BatchNorm1d (eval mode, running stats)
    h = (h - running_mean) / jnp.sqrt(running_var + 1e-5) * gamma + beta
    # ReLU
    h = jnp.maximum(h, 0.0)
    # Linear(HIDDEN_DIM -> OUT_DIM)
    out = h @ W2.T + b2
    return out

if __name__ == "__main__":
    import jax
    _d = setup_inputs()
    print(jax.jit(kernel)(*tuple(_d.values())))

</pallas_src>

<mosaic_0001>
#map = affine_map<(d0, d1) -> (0, 0)>
#map1 = affine_map<(d0, d1) -> (0)>
module attributes {stable_mosaic.version = 14 : i64} {
  func.func @_sc_pool_body(%arg0: i32, %arg1: i32, %arg2: memref<50x4096xi32, #tpu.memory_space<hbm>>, %arg3: memref<33000xi32, #tpu.memory_space<hbm>>, %arg4: memref<64x4096xf32, #tpu.memory_space<hbm>>, %arg5: memref<50x128xi32, #tpu.memory_space<vmem>>, %arg6: memref<33000xi32, #tpu.memory_space<vmem>>, %arg7: memref<64x128xf32, #tpu.memory_space<vmem>>, %arg8: memref<!tpu.dma_semaphore, #tpu.memory_space<semaphore_mem>>) attributes {dimension_semantics = [#tpu.dimension_semantics<core_parallel>, #tpu.dimension_semantics<subcore_parallel>], iteration_bounds = array<i64: 2, 16>, scalar_prefetch = 0 : i64, scratch_operands = 4 : i64, tpu.core_type = #tpu.core_type<sc_vector_subcore>, window_params = [{transform_indices = #map}, {transform_indices = #map1}, {transform_indices = #map}]} {
    %mul3A = arith.constant 2 : i32
    %mul3A_0 = arith.muli %arg1, %mul3A : i32
    %add3A = arith.addi %mul3A_0, %arg0 : i32
    %mul3A_1 = arith.constant 128 : i32
    %mul3A_2 = arith.muli %add3A, %mul3A_1 : i32
    tpu.enqueue_dma source(%arg3 : memref<33000xi32, #tpu.memory_space<hbm>>) target(%arg6 : memref<33000xi32, #tpu.memory_space<vmem>>) target_semaphore(%arg8 : memref<!tpu.dma_semaphore, #tpu.memory_space<semaphore_mem>>)
    "tpu.region"() ({
      %run_scoped3A = tpu.sem_alloc : memref<!tpu.dma_semaphore, #tpu.memory_space<semaphore_mem>>
      %dma_start3A = arith.constant 0 : i32
      %dma_start3A_9 = tpu.memref_slice %arg2[%dma_start3A, %mul3A_2] : memref<50x4096xi32, #tpu.memory_space<hbm>> -> memref<50x128xi32, #tpu.memory_space<hbm>>
      %dma_start3A_10 = arith.constant 0 : i32
      %dma_start3A_11 = tpu.memref_slice %arg2[%dma_start3A_10, %mul3A_2] : memref<50x4096xi32, #tpu.memory_space<hbm>> -> memref<50x128xi32, #tpu.memory_space<hbm>>
      tpu.enqueue_dma source(%dma_start3A_11 : memref<50x128xi32, #tpu.memory_space<hbm>>) target(%arg5 : memref<50x128xi32, #tpu.memory_space<vmem>>) target_semaphore(%run_scoped3A : memref<!tpu.dma_semaphore, #tpu.memory_space<semaphore_mem>>)
      %dma_wait3A = arith.constant 0 : i32
      %dma_wait3A_12 = tpu.memref_slice %arg2[%dma_wait3A, %mul3A_2] : memref<50x4096xi32, #tpu.memory_space<hbm>> -> memref<50x128xi32, #tpu.memory_space<hbm>>
      %dma_wait3A_13 = arith.constant 0 : i32
      %dma_wait3A_14 = tpu.memref_slice %arg2[%dma_wait3A_13, %mul3A_2] : memref<50x4096xi32, #tpu.memory_space<hbm>> -> memref<50x128xi32, #tpu.memory_space<hbm>>
      tpu.wait_dma2 semaphore(%run_scoped3A : memref<!tpu.dma_semaphore, #tpu.memory_space<semaphore_mem>>) src(%dma_wait3A_14 : memref<50x128xi32, #tpu.memory_space<hbm>>) dst(%arg5 : memref<50x128xi32, #tpu.memory_space<vmem>>)
      tpu.yield
    }) : () -> ()
    tpu.wait_dma2 semaphore(%arg8 : memref<!tpu.dma_semaphore, #tpu.memory_space<semaphore_mem>>) src(%arg3 : memref<33000xi32, #tpu.memory_space<hbm>>) dst(%arg6 : memref<33000xi32, #tpu.memory_space<vmem>>)
    %broadcast_in_dim3A = arith.constant 0.000000e+00 : f32
    %broadcast_in_dim3A_3 = vector.broadcast %broadcast_in_dim3A : f32 to vector<16xf32>
    %scan3A = arith.constant 0 : i32
    %scan3A_4 = arith.constant 0 : i32
    %scan3A_5 = arith.constant 8 : i32
    %scan3A_6 = arith.addi %scan3A_4, %scan3A_5 : i32
    %scan3A_7 = arith.constant 1 : i32
    scf.for %scan3A_9 = %scan3A_4 to %scan3A_6 step %scan3A_7  : i32 {
      %mul3A_10 = arith.constant 16 : i32
      %mul3A_11 = arith.muli %scan3A_9, %mul3A_10 : i32
      %scan3A_12 = arith.constant 0 : i32
      %scan3A_13 = arith.constant 50 : i32
      %scan3A_14 = arith.addi %scan3A_12, %scan3A_13 : i32
      %scan3A_15 = arith.constant 1 : i32
      %scan3A_16:32 = scf.for %scan3A_279 = %scan3A_12 to %scan3A_14 step %scan3A_15 iter_args(%scan3A_280 = %broadcast_in_dim3A_3, %scan3A_281 = %broadcast_in_dim3A_3, %scan3A_282 = %broadcast_in_dim3A_3, %scan3A_283 = %broadcast_in_dim3A_3, %scan3A_284 = %broadcast_in_dim3A_3, %scan3A_285 = %broadcast_in_dim3A_3, %scan3A_286 = %broadcast_in_dim3A_3, %scan3A_287 = %broadcast_in_dim3A_3, %scan3A_288 = %broadcast_in_dim3A_3, %scan3A_289 = %broadcast_in_dim3A_3, %scan3A_290 = %broadcast_in_dim3A_3, %scan3A_291 = %broadcast_in_dim3A_3, %scan3A_292 = %broadcast_in_dim3A_3, %scan3A_293 = %broadcast_in_dim3A_3, %scan3A_294 = %broadcast_in_dim3A_3, %scan3A_295 = %broadcast_in_dim3A_3, %scan3A_296 = %broadcast_in_dim3A_3, %scan3A_297 = %broadcast_in_dim3A_3, %scan3A_298 = %broadcast_in_dim3A_3, %scan3A_299 = %broadcast_in_dim3A_3, %scan3A_300 = %broadcast_in_dim3A_3, %scan3A_301 = %broadcast_in_dim3A_3, %scan3A_302 = %broadcast_in_dim3A_3, %scan3A_303 = %broadcast_in_dim3A_3, %scan3A_304 = %broadcast_in_dim3A_3, %scan3A_305 = %broadcast_in_dim3A_3, %scan3A_306 = %broadcast_in_dim3A_3, %scan3A_307 = %broadcast_in_dim3A_3, %scan3A_308 = %broadcast_in_dim3A_3, %scan3A_309 = %broadcast_in_dim3A_3, %scan3A_310 = %broadcast_in_dim3A_3, %scan3A_311 = %broadcast_in_dim3A_3) -> (vector<16xf32>, vector<16xf32>, vector<16xf32>, vector<16xf32>, vector<16xf32>, vector<16xf32>, vector<16xf32>, vector<16xf32>, vector<16xf32>, vector<16xf32>, vector<16xf32>, vector<16xf32>, vector<16xf32>, vector<16xf32>, vector<16xf32>, vector<16xf32>, vector<16xf32>, vector<16xf32>, vector<16xf32>, vector<16xf32>, vector<16xf32>, vector<16xf32>, vector<16xf32>, vector<16xf32>, vector<16xf32>, vector<16xf32>, vector<16xf32>, vector<16xf32>, vector<16xf32>, vector<16xf32>, vector<16xf32>, vector<16xf32>)  : i32 {
        %get3A = arith.index_cast %scan3A_279 : i32 to index
        %get3A_312 = arith.index_cast %mul3A_11 : i32 to index
        %get3A_313 = tpu.vector_load %arg5[%get3A, %get3A_312] {strides = array<i32>} : memref<50x128xi32, #tpu.memory_space<vmem>>, vector<16xi32>,
        %mul3A_314 = arith.constant 33 : i32
        %mul3A_315 = vector.broadcast %mul3A_314 : i32 to vector<16xi32>
        %mul3A_316 = arith.muli %get3A_313, %mul3A_315 : vector<16xi32>
        %add3A_317 = arith.constant 0 : i32
        %add3A_318 = vector.broadcast %add3A_317 : i32 to vector<16xi32>
        %add3A_319 = arith.addi %mul3A_316, %add3A_318 : vector<16xi32>
        %add3A_320 = arith.constant 0 : i32
        %add3A_321 = vector.broadcast %add3A_320 : i32 to vector<16xi32>
        %add3A_322 = arith.addi %add3A_319, %add3A_321 : vector<16xi32>
        %gather3A = tpu.vector_load_idx %arg6[%add3A_322] : memref<33000xi32, #tpu.memory_space<vmem>>[vector<16xi32>], vector<16xi32>,
        %bitcast3A = vector.bitcast %gather3A : vector<16xi32> to vector<32xbf16>
        %unpack3A = tpu.unpack_subelements %bitcast3A, 0 {pack_format = #tpu.pack_format<interleaved>} : vector<32xbf16> -> vector<16xf32>
        %unpack3A_323 = tpu.unpack_subelements %bitcast3A, 1 {pack_format = #tpu.pack_format<interleaved>} : vector<32xbf16> -> vector<16xf32>
        %add3A_324 = arith.addf %scan3A_280, %unpack3A : vector<16xf32>
        %add3A_325 = arith.addf %scan3A_281, %unpack3A_323 : vector<16xf32>
        %add3A_326 = arith.constant 1 : i32
        %add3A_327 = vector.broadcast %add3A_326 : i32 to vector<16xi32>
        %add3A_328 = arith.addi %add3A_319, %add3A_327 : vector<16xi32>
        %gather3A_329 = tpu.vector_load_idx %arg6[%add3A_328] : memref<33000xi32, #tpu.memory_space<vmem>>[vector<16xi32>], vector<16xi32>,
        %bitcast3A_330 = vector.bitcast %gather3A_329 : vector<16xi32> to vector<32xbf16>
        %unpack3A_331 = tpu.unpack_subelements %bitcast3A_330, 0 {pack_format = #tpu.pack_format<interleaved>} : vector<32xbf16> -> vector<16xf32>
        %unpack3A_332 = tpu.unpack_subelements %bitcast3A_330, 1 {pack_format = #tpu.pack_format<interleaved>} : vector<32xbf16> -> vector<16xf32>
        %add3A_333 = arith.addf %scan3A_282, %unpack3A_331 : vector<16xf32>
        %add3A_334 = arith.addf %scan3A_283, %unpack3A_332 : vector<16xf32>
        %add3A_335 = arith.constant 2 : i32
        %add3A_336 = vector.broadcast %add3A_335 : i32 to vector<16xi32>
        %add3A_337 = arith.addi %add3A_319, %add3A_336 : vector<16xi32>
        %gather3A_338 = tpu.vector_load_idx %arg6[%add3A_337] : memref<33000xi32, #tpu.memory_space<vmem>>[vector<16xi32>], vector<16xi32>,
        %bitcast3A_339 = vector.bitcast %gather3A_338 : vector<16xi32> to vector<32xbf16>
        %unpack3A_340 = tpu.unpack_subelements %bitcast3A_339, 0 {pack_format = #tpu.pack_format<interleaved>} : vector<32xbf16> -> vector<16xf32>
        %unpack3A_341 = tpu.unpack_subelements %bitcast3A_339, 1 {pack_format = #tpu.pack_format<interleaved>} : vector<32xbf16> -> vector<16xf32>
        %add3A_342 = arith.addf %scan3A_284, %unpack3A_340 : vector<16xf32>
        %add3A_343 = arith.addf %scan3A_285, %unpack3A_341 : vector<16xf32>
        %add3A_344 = arith.constant 3 : i32
        %add3A_345 = vector.broadcast %add3A_344 : i32 to vector<16xi32>
        %add3A_346 = arith.addi %add3A_319, %add3A_345 : vector<16xi32>
        %gather3A_347 = tpu.vector_load_idx %arg6[%add3A_346] : memref<33000xi32, #tpu.memory_space<vmem>>[vector<16xi32>], vector<16xi32>,
        %bitcast3A_348 = vector.bitcast %gather3A_347 : vector<16xi32> to vector<32xbf16>
        %unpack3A_349 = tpu.unpack_subelements %bitcast3A_348, 0 {pack_format = #tpu.pack_format<interleaved>} : vector<32xbf16> -> vector<16xf32>
        %unpack3A_350 = tpu.unpack_subelements %bitcast3A_348, 1 {pack_format = #tpu.pack_format<interleaved>} : vector<32xbf16> -> vector<16xf32>
        %add3A_351 = arith.addf %scan3A_286, %unpack3A_349 : vector<16xf32>
        %add3A_352 = arith.addf %scan3A_287, %unpack3A_350 : vector<16xf32>
        %add3A_353 = arith.constant 4 : i32
        %add3A_354 = vector.broadcast %add3A_353 : i32 to vector<16xi32>
        %add3A_355 = arith.addi %add3A_319, %add3A_354 : vector<16xi32>
        %gather3A_356 = tpu.vector_load_idx %arg6[%add3A_355] : memref<33000xi32, #tpu.memory_space<vmem>>[vector<16xi32>], vector<16xi32>,
        %bitcast3A_357 = vector.bitcast %gather3A_356 : vector<16xi32> to vector<32xbf16>
        %unpack3A_358 = tpu.unpack_subelements %bitcast3A_357, 0 {pack_format = #tpu.pack_format<interleaved>} : vector<32xbf16> -> vector<16xf32>
        %unpack3A_359 = tpu.unpack_subelements %bitcast3A_357, 1 {pack_format = #tpu.pack_format<interleaved>} : vector<32xbf16> -> vector<16xf32>
        %add3A_360 = arith.addf %scan3A_288, %unpack3A_358 : vector<16xf32>
        %add3A_361 = arith.addf %scan3A_289, %unpack3A_359 : vector<16xf32>
        %add3A_362 = arith.constant 5 : i32
        %add3A_363 = vector.broadcast %add3A_362 : i32 to vector<16xi32>
        %add3A_364 = arith.addi %add3A_319, %add3A_363 : vector<16xi32>
        %gather3A_365 = tpu.vector_load_idx %arg6[%add3A_364] : memref<33000xi32, #tpu.memory_space<vmem>>[vector<16xi32>], vector<16xi32>,
        %bitcast3A_366 = vector.bitcast %gather3A_365 : vector<16xi32> to vector<32xbf16>
        %unpack3A_367 = tpu.unpack_subelements %bitcast3A_366, 0 {pack_format = #tpu.pack_format<interleaved>} : vector<32xbf16> -> vector<16xf32>
        %unpack3A_368 = tpu.unpack_subelements %bitcast3A_366, 1 {pack_format = #tpu.pack_format<interleaved>} : vector<32xbf16> -> vector<16xf32>
        %add3A_369 = arith.addf %scan3A_290, %unpack3A_367 : vector<16xf32>
        %add3A_370 = arith.addf %scan3A_291, %unpack3A_368 : vector<16xf32>
        %add3A_371 = arith.constant 6 : i32
        %add3A_372 = vector.broadcast %add3A_371 : i32 to vector<16xi32>
        %add3A_373 = arith.addi %add3A_319, %add3A_372 : vector<16xi32>
        %gather3A_374 = tpu.vector_load_idx %arg6[%add3A_373] : memref<33000xi32, #tpu.memory_space<vmem>>[vector<16xi32>], vector<16xi32>,
        %bitcast3A_375 = vector.bitcast %gather3A_374 : vector<16xi32> to vector<32xbf16>
        %unpack3A_376 = tpu.unpack_subelements %bitcast3A_375, 0 {pack_format = #tpu.pack_format<interleaved>} : vector<32xbf16> -> vector<16xf32>
        %unpack3A_377 = tpu.unpack_subelements %bitcast3A_375, 1 {pack_format = #tpu.pack_format<interleaved>} : vector<32xbf16> -> vector<16xf32>
        %add3A_378 = arith.addf %scan3A_292, %unpack3A_376 : vector<16xf32>
        %add3A_379 = arith.addf %scan3A_293, %unpack3A_377 : vector<16xf32>
        %add3A_380 = arith.constant 7 : i32
        %add3A_381 = vector.broadcast %add3A_380 : i32 to vector<16xi32>
        %add3A_382 = arith.addi %add3A_319, %add3A_381 : vector<16xi32>
        %gather3A_383 = tpu.vector_load_idx %arg6[%add3A_382] : memref<33000xi32, #tpu.memory_space<vmem>>[vector<16xi32>], vector<16xi32>,
        %bitcast3A_384 = vector.bitcast %gather3A_383 : vector<16xi32> to vector<32xbf16>
        %unpack3A_385 = tpu.unpack_subelements %bitcast3A_384, 0 {pack_format = #tpu.pack_format<interleaved>} : vector<32xbf16> -> vector<16xf32>
        %unpack3A_386 = tpu.unpack_subelements %bitcast3A_384, 1 {pack_format = #tpu.pack_format<interleaved>} : vector<32xbf16> -> vector<16xf32>
        %add3A_387 = arith.addf %scan3A_294, %unpack3A_385 : vector<16xf32>
        %add3A_388 = arith.addf %scan3A_295, %unpack3A_386 : vector<16xf32>
        %add3A_389 = arith.constant 8 : i32
        %add3A_390 = vector.broadcast %add3A_389 : i32 to vector<16xi32>
        %add3A_391 = arith.addi %add3A_319, %add3A_390 : vector<16xi32>
        %gather3A_392 = tpu.vector_load_idx %arg6[%add3A_391] : memref<33000xi32, #tpu.memory_space<vmem>>[vector<16xi32>], vector<16xi32>,
        %bitcast3A_393 = vector.bitcast %gather3A_392 : vector<16xi32> to vector<32xbf16>
        %unpack3A_394 = tpu.unpack_subelements %bitcast3A_393, 0 {pack_format = #tpu.pack_format<interleaved>} : vector<32xbf16> -> vector<16xf32>
        %unpack3A_395 = tpu.unpack_subelements %bitcast3A_393, 1 {pack_format = #tpu.pack_format<interleaved>} : vector<32xbf16> -> vector<16xf32>
        %add3A_396 = arith.addf %scan3A_296, %unpack3A_394 : vector<16xf32>
        %add3A_397 = arith.addf %scan3A_297, %unpack3A_395 : vector<16xf32>
        %add3A_398 = arith.constant 9 : i32
        %add3A_399 = vector.broadcast %add3A_398 : i32 to vector<16xi32>
        %add3A_400 = arith.addi %add3A_319, %add3A_399 : vector<16xi32>
        %gather3A_401 = tpu.vector_load_idx %arg6[%add3A_400] : memref<33000xi32, #tpu.memory_space<vmem>>[vector<16xi32>], vector<16xi32>,
        %bitcast3A_402 = vector.bitcast %gather3A_401 : vector<16xi32> to vector<32xbf16>
        %unpack3A_403 = tpu.unpack_subelements %bitcast3A_402, 0 {pack_format = #tpu.pack_format<interleaved>} : vector<32xbf16> -> vector<16xf32>
        %unpack3A_404 = tpu.unpack_subelements %bitcast3A_402, 1 {pack_format = #tpu.pack_format<interleaved>} : vector<32xbf16> -> vector<16xf32>
        %add3A_405 = arith.addf %scan3A_298, %unpack3A_403 : vector<16xf32>
        %add3A_406 = arith.addf %scan3A_299, %unpack3A_404 : vector<16xf32>
        %add3A_407 = arith.constant 10 : i32
        %add3A_408 = vector.broadcast %add3A_407 : i32 to vector<16xi32>
        %add3A_409 = arith.addi %add3A_319, %add3A_408 : vector<16xi32>
        %gather3A_410 = tpu.vector_load_idx %arg6[%add3A_409] : memref<33000xi32, #tpu.memory_space<vmem>>[vector<16xi32>], vector<16xi32>,
        %bitcast3A_411 = vector.bitcast %gather3A_410 : vector<16xi32> to vector<32xbf16>
        %unpack3A_412 = tpu.unpack_subelements %bitcast3A_411, 0 {pack_format = #tpu.pack_format<interleaved>} : vector<32xbf16> -> vector<16xf32>
        %unpack3A_413 = tpu.unpack_subelements %bitcast3A_411, 1 {pack_format = #tpu.pack_format<interleaved>} : vector<32xbf16> -> vector<16xf32>
        %add3A_414 = arith.addf %scan3A_300, %unpack3A_412 : vector<16xf32>
        %add3A_415 = arith.addf %scan3A_301, %unpack3A_413 : vector<16xf32>
        %add3A_416 = arith.constant 11 : i32
        %add3A_417 = vector.broadcast %add3A_416 : i32 to vector<16xi32>
        %add3A_418 = arith.addi %add3A_319, %add3A_417 : vector<16xi32>
        %gather3A_419 = tpu.vector_load_idx %arg6[%add3A_418] : memref<33000xi32, #tpu.memory_space<vmem>>[vector<16xi32>], vector<16xi32>,
        %bitcast3A_420 = vector.bitcast %gather3A_419 : vector<16xi32> to vector<32xbf16>
        %unpack3A_421 = tpu.unpack_subelements %bitcast3A_420, 0 {pack_format = #tpu.pack_format<interleaved>} : vector<32xbf16> -> vector<16xf32>
        %unpack3A_422 = tpu.unpack_subelements %bitcast3A_420, 1 {pack_format = #tpu.pack_format<interleaved>} : vector<32xbf16> -> vector<16xf32>
        %add3A_423 = arith.addf %scan3A_302, %unpack3A_421 : vector<16xf32>
        %add3A_424 = arith.addf %scan3A_303, %unpack3A_422 : vector<16xf32>
        %add3A_425 = arith.constant 12 : i32
        %add3A_426 = vector.broadcast %add3A_425 : i32 to vector<16xi32>
        %add3A_427 = arith.addi %add3A_319, %add3A_426 : vector<16xi32>
        %gather3A_428 = tpu.vector_load_idx %arg6[%add3A_427] : memref<33000xi32, #tpu.memory_space<vmem>>[vector<16xi32>], vector<16xi32>,
        %bitcast3A_429 = vector.bitcast %gather3A_428 : vector<16xi32> to vector<32xbf16>
        %unpack3A_430 = tpu.unpack_subelements %bitcast3A_429, 0 {pack_format = #tpu.pack_format<interleaved>} : vector<32xbf16> -> vector<16xf32>
        %unpack3A_431 = tpu.unpack_subelements %bitcast3A_429, 1 {pack_format = #tpu.pack_format<interleaved>} : vector<32xbf16> -> vector<16xf32>
        %add3A_432 = arith.addf %scan3A_304, %unpack3A_430 : vector<16xf32>
        %add3A_433 = arith.addf %scan3A_305, %unpack3A_431 : vector<16xf32>
        %add3A_434 = arith.constant 13 : i32
        %add3A_435 = vector.broadcast %add3A_434 : i32 to vector<16xi32>
        %add3A_436 = arith.addi %add3A_319, %add3A_435 : vector<16xi32>
        %gather3A_437 = tpu.vector_load_idx %arg6[%add3A_436] : memref<33000xi32, #tpu.memory_space<vmem>>[vector<16xi32>], vector<16xi32>,
        %bitcast3A_438 = vector.bitcast %gather3A_437 : vector<16xi32> to vector<32xbf16>
        %unpack3A_439 = tpu.unpack_subelements %bitcast3A_438, 0 {pack_format = #tpu.pack_format<interleaved>} : vector<32xbf16> -> vector<16xf32>
        %unpack3A_440 = tpu.unpack_subelements %bitcast3A_438, 1 {pack_format = #tpu.pack_format<interleaved>} : vector<32xbf16> -> vector<16xf32>
        %add3A_441 = arith.addf %scan3A_306, %unpack3A_439 : vector<16xf32>
        %add3A_442 = arith.addf %scan3A_307, %unpack3A_440 : vector<16xf32>
        %add3A_443 = arith.constant 14 : i32
        %add3A_444 = vector.broadcast %add3A_443 : i32 to vector<16xi32>
        %add3A_445 = arith.addi %add3A_319, %add3A_444 : vector<16xi32>
        %gather3A_446 = tpu.vector_load_idx %arg6[%add3A_445] : memref<33000xi32, #tpu.memory_space<vmem>>[vector<16xi32>], vector<16xi32>,
        %bitcast3A_447 = vector.bitcast %gather3A_446 : vector<16xi32> to vector<32xbf16>
        %unpack3A_448 = tpu.unpack_subelements %bitcast3A_447, 0 {pack_format = #tpu.pack_format<interleaved>} : vector<32xbf16> -> vector<16xf32>
        %unpack3A_449 = tpu.unpack_subelements %bitcast3A_447, 1 {pack_format = #tpu.pack_format<interleaved>} : vector<32xbf16> -> vector<16xf32>
        %add3A_450 = arith.addf %scan3A_308, %unpack3A_448 : vector<16xf32>
        %add3A_451 = arith.addf %scan3A_309, %unpack3A_449 : vector<16xf32>
        %add3A_452 = arith.constant 15 : i32
        %add3A_453 = vector.broadcast %add3A_452 : i32 to vector<16xi32>
        %add3A_454 = arith.addi %add3A_319, %add3A_453 : vector<16xi32>
        %gather3A_455 = tpu.vector_load_idx %arg6[%add3A_454] : memref<33000xi32, #tpu.memory_space<vmem>>[vector<16xi32>], vector<16xi32>,
        %bitcast3A_456 = vector.bitcast %gather3A_455 : vector<16xi32> to vector<32xbf16>
        %unpack3A_457 = tpu.unpack_subelements %bitcast3A_456, 0 {pack_format = #tpu.pack_format<interleaved>} : vector<32xbf16> -> vector<16xf32>
        %unpack3A_458 = tpu.unpack_subelements %bitcast3A_456, 1 {pack_format = #tpu.pack_format<interleaved>} : vector<32xbf16> -> vector<16xf32>
        %add3A_459 = arith.addf %scan3A_310, %unpack3A_457 : vector<16xf32>
        %add3A_460 = arith.addf %scan3A_311, %unpack3A_458 : vector<16xf32>
        scf.yield %add3A_324, %add3A_325, %add3A_333, %add3A_334, %add3A_342, %add3A_343, %add3A_351, %add3A_352, %add3A_360, %add3A_361, %add3A_369, %add3A_370, %add3A_378, %add3A_379, %add3A_387, %add3A_388, %add3A_396, %add3A_397, %add3A_405, %add3A_406, %add3A_414, %add3A_415, %add3A_423, %add3A_424, %add3A_432, %add3A_433, %add3A_441, %add3A_442, %add3A_450, %add3A_451, %add3A_459, %add3A_460 : vector<16xf32>, vector<16xf32>, vector<16xf32>, vector<16xf32>, vector<16xf32>, vector<16xf32>, vector<16xf32>, vector<16xf32>, vector<16xf32>, vector<16xf32>, vector<16xf32>, vector<16xf32>, vector<16xf32>, vector<16xf32>, vector<16xf32>, vector<16xf32>, vector<16xf32>, vector<16xf32>, vector<16xf32>, vector<16xf32>, vector<16xf32>, vector<16xf32>, vector<16xf32>, vector<16xf32>, vector<16xf32>, vector<16xf32>, vector<16xf32>, vector<16xf32>, vector<16xf32>, vector<16xf32>, vector<16xf32>, vector<16xf32>
      }
      %scan3A_17 = arith.constant 50 : i32
      %swap3A = arith.constant 0 : i32
      %swap3A_18 = arith.index_cast %swap3A : i32 to index
      %swap3A_19 = arith.index_cast %mul3A_11 : i32 to index
      %swap3A_20 = tpu.vector_load %arg7[%swap3A_18, %swap3A_19] {strides = array<i32>} : memref<64x128xf32, #tpu.memory_space<vmem>>, vector<16xf32>,
      tpu.vector_store %arg7[%swap3A_18, %swap3A_19], %scan3A_16#0 {strides = array<i32>} : memref<64x128xf32, #tpu.memory_space<vmem>>, vector<16xf32>,
      %swap3A_21 = arith.constant 1 : i32
      %swap3A_22 = arith.index_cast %swap3A_21 : i32 to index
      %swap3A_23 = arith.index_cast %mul3A_11 : i32 to index
      %swap3A_24 = tpu.vector_load %arg7[%swap3A_22, %swap3A_23] {strides = array<i32>} : memref<64x128xf32, #tpu.memory_space<vmem>>, vector<16xf32>,
      tpu.vector_store %arg7[%swap3A_22, %swap3A_23], %scan3A_16#1 {strides = array<i32>} : memref<64x128xf32, #tpu.memory_space<vmem>>, vector<16xf32>,
      %swap3A_25 = arith.constant 2 : i32
      %swap3A_26 = arith.index_cast %swap3A_25 : i32 to index
      %swap3A_27 = arith.index_cast %mul3A_11 : i32 to index
      %swap3A_28 = tpu.vector_load %arg7[%swap3A_26, %swap3A_27] {strides = array<i32>} : memref<64x128xf32, #tpu.memory_space<vmem>>, vector<16xf32>,
      tpu.vector_store %arg7[%swap3A_26, %swap3A_27], %scan3A_16#2 {strides = array<i32>} : memref<64x128xf32, #tpu.memory_space<vmem>>, vector<16xf32>,
      %swap3A_29 = arith.constant 3 : i32
      %swap3A_30 = arith.index_cast %swap3A_29 : i32 to index
      %swap3A_31 = arith.index_cast %mul3A_11 : i32 to index
      %swap3A_32 = tpu.vector_load %arg7[%swap3A_30, %swap3A_31] {strides = array<i32>} : memref<64x128xf32, #tpu.memory_space<vmem>>, vector<16xf32>,
      tpu.vector_store %arg7[%swap3A_30, %swap3A_31], %scan3A_16#3 {strides = array<i32>} : memref<64x128xf32, #tpu.memory_space<vmem>>, vector<16xf32>,
      %swap3A_33 = arith.constant 4 : i32
      %swap3A_34 = arith.index_cast %swap3A_33 : i32 to index
      %swap3A_35 = arith.index_cast %mul3A_11 : i32 to index
      %swap3A_36 = tpu.vector_load %arg7[%swap3A_34, %swap3A_35] {strides = array<i32>} : memref<64x128xf32, #tpu.memory_space<vmem>>, vector<16xf32>,
      tpu.vector_store %arg7[%swap3A_34, %swap3A_35], %scan3A_16#4 {strides = array<i32>} : memref<64x128xf32, #tpu.memory_space<vmem>>, vector<16xf32>,
      %swap3A_37 = arith.constant 5 : i32
      %swap3A_38 = arith.index_cast %swap3A_37 : i32 to index
      %swap3A_39 = arith.index_cast %mul3A_11 : i32 to index
      %swap3A_40 = tpu.vector_load %arg7[%swap3A_38, %swap3A_39] {strides = array<i32>} : memref<64x128xf32, #tpu.memory_space<vmem>>, vector<16xf32>,
      tpu.vector_store %arg7[%swap3A_38, %swap3A_39], %scan3A_16#5 {strides = array<i32>} : memref<64x128xf32, #tpu.memory_space<vmem>>, vector<16xf32>,
      %swap3A_41 = arith.constant 6 : i32
      %swap3A_42 = arith.index_cast %swap3A_41 : i32 to index
      %swap3A_43 = arith.index_cast %mul3A_11 : i32 to index
      %swap3A_44 = tpu.vector_load %arg7[%swap3A_42, %swap3A_43] {strides = array<i32>} : memref<64x128xf32, #tpu.memory_space<vmem>>, vector<16xf32>,
      tpu.vector_store %arg7[%swap3A_42, %swap3A_43], %scan3A_16#6 {strides = array<i32>} : memref<64x128xf32, #tpu.memory_space<vmem>>, vector<16xf32>,
      %swap3A_45 = arith.constant 7 : i32
      %swap3A_46 = arith.index_cast %swap3A_45 : i32 to index
      %swap3A_47 = arith.index_cast %mul3A_11 : i32 to index
      %swap3A_48 = tpu.vector_load %arg7[%swap3A_46, %swap3A_47] {strides = array<i32>} : memref<64x128xf32, #tpu.memory_space<vmem>>, vector<16xf32>,
      tpu.vector_store %arg7[%swap3A_46, %swap3A_47], %scan3A_16#7 {strides = array<i32>} : memref<64x128xf32, #tpu.memory_space<vmem>>, vector<16xf32>,
      %swap3A_49 = arith.constant 8 : i32
      %swap3A_50 = arith.index_cast %swap3A_49 : i32 to index
      %swap3A_51 = arith.index_cast %mul3A_11 : i32 to index
      %swap3A_52 = tpu.vector_load %arg7[%swap3A_50, %swap3A_51] {strides = array<i32>} : memref<64x128xf32, #tpu.memory_space<vmem>>, vector<16xf32>,
      tpu.vector_store %arg7[%swap3A_50, %swap3A_51], %scan3A_16#8 {strides = array<i32>} : memref<64x128xf32, #tpu.memory_space<vmem>>, vector<16xf32>,
      %swap3A_53 = arith.constant 9 : i32
      %swap3A_54 = arith.index_cast %swap3A_53 : i32 to index
      %swap3A_55 = arith.index_cast %mul3A_11 : i32 to index
      %swap3A_56 = tpu.vector_load %arg7[%swap3A_54, %swap3A_55] {strides = array<i32>} : memref<64x128xf32, #tpu.memory_space<vmem>>, vector<16xf32>,
      tpu.vector_store %arg7[%swap3A_54, %swap3A_55], %scan3A_16#9 {strides = array<i32>} : memref<64x128xf32, #tpu.memory_space<vmem>>, vector<16xf32>,
      %swap3A_57 = arith.constant 10 : i32
      %swap3A_58 = arith.index_cast %swap3A_57 : i32 to index
      %swap3A_59 = arith.index_cast %mul3A_11 : i32 to index
      %swap3A_60 = tpu.vector_load %arg7[%swap3A_58, %swap3A_59] {strides = array<i32>} : memref<64x128xf32, #tpu.memory_space<vmem>>, vector<16xf32>,
      tpu.vector_store %arg7[%swap3A_58, %swap3A_59], %scan3A_16#10 {strides = array<i32>} : memref<64x128xf32, #tpu.memory_space<vmem>>, vector<16xf32>,
      %swap3A_61 = arith.constant 11 : i32
      %swap3A_62 = arith.index_cast %swap3A_61 : i32 to index
      %swap3A_63 = arith.index_cast %mul3A_11 : i32 to index
      %swap3A_64 = tpu.vector_load %arg7[%swap3A_62, %swap3A_63] {strides = array<i32>} : memref<64x128xf32, #tpu.memory_space<vmem>>, vector<16xf32>,
      tpu.vector_store %arg7[%swap3A_62, %swap3A_63], %scan3A_16#11 {strides = array<i32>} : memref<64x128xf32, #tpu.memory_space<vmem>>, vector<16xf32>,
      %swap3A_65 = arith.constant 12 : i32
      %swap3A_66 = arith.index_cast %swap3A_65 : i32 to index
      %swap3A_67 = arith.index_cast %mul3A_11 : i32 to index
      %swap3A_68 = tpu.vector_load %arg7[%swap3A_66, %swap3A_67] {strides = array<i32>} : memref<64x128xf32, #tpu.memory_space<vmem>>, vector<16xf32>,
      tpu.vector_store %arg7[%swap3A_66, %swap3A_67], %scan3A_16#12 {strides = array<i32>} : memref<64x128xf32, #tpu.memory_space<vmem>>, vector<16xf32>,
      %swap3A_69 = arith.constant 13 : i32
      %swap3A_70 = arith.index_cast %swap3A_69 : i32 to index
      %swap3A_71 = arith.index_cast %mul3A_11 : i32 to index
      %swap3A_72 = tpu.vector_load %arg7[%swap3A_70, %swap3A_71] {strides = array<i32>} : memref<64x128xf32, #tpu.memory_space<vmem>>, vector<16xf32>,
      tpu.vector_store %arg7[%swap3A_70, %swap3A_71], %scan3A_16#13 {strides = array<i32>} : memref<64x128xf32, #tpu.memory_space<vmem>>, vector<16xf32>,
      %swap3A_73 = arith.constant 14 : i32
      %swap3A_74 = arith.index_cast %swap3A_73 : i32 to index
      %swap3A_75 = arith.index_cast %mul3A_11 : i32 to index
      %swap3A_76 = tpu.vector_load %arg7[%swap3A_74, %swap3A_75] {strides = array<i32>} : memref<64x128xf32, #tpu.memory_space<vmem>>, vector<16xf32>,
      tpu.vector_store %arg7[%swap3A_74, %swap3A_75], %scan3A_16#14 {strides = array<i32>} : memref<64x128xf32, #tpu.memory_space<vmem>>, vector<16xf32>,
      %swap3A_77 = arith.constant 15 : i32
      %swap3A_78 = arith.index_cast %swap3A_77 : i32 to index
      %swap3A_79 = arith.index_cast %mul3A_11 : i32 to index
      %swap3A_80 = tpu.vector_load %arg7[%swap3A_78, %swap3A_79] {strides = array<i32>} : memref<64x128xf32, #tpu.memory_space<vmem>>, vector<16xf32>,
      tpu.vector_store %arg7[%swap3A_78, %swap3A_79], %scan3A_16#15 {strides = array<i32>} : memref<64x128xf32, #tpu.memory_space<vmem>>, vector<16xf32>,
      %swap3A_81 = arith.constant 16 : i32
      %swap3A_82 = arith.index_cast %swap3A_81 : i32 to index
      %swap3A_83 = arith.index_cast %mul3A_11 : i32 to index
      %swap3A_84 = tpu.vector_load %arg7[%swap3A_82, %swap3A_83] {strides = array<i32>} : memref<64x128xf32, #tpu.memory_space<vmem>>, vector<16xf32>,
      tpu.vector_store %arg7[%swap3A_82, %swap3A_83], %scan3A_16#16 {strides = array<i32>} : memref<64x128xf32, #tpu.memory_space<vmem>>, vector<16xf32>,
      %swap3A_85 = arith.constant 17 : i32
      %swap3A_86 = arith.index_cast %swap3A_85 : i32 to index
      %swap3A_87 = arith.index_cast %mul3A_11 : i32 to index
      %swap3A_88 = tpu.vector_load %arg7[%swap3A_86, %swap3A_87] {strides = array<i32>} : memref<64x128xf32, #tpu.memory_space<vmem>>, vector<16xf32>,
      tpu.vector_store %arg7[%swap3A_86, %swap3A_87], %scan3A_16#17 {strides = array<i32>} : memref<64x128xf32, #tpu.memory_space<vmem>>, vector<16xf32>,
      %swap3A_89 = arith.constant 18 : i32
      %swap3A_90 = arith.index_cast %swap3A_89 : i32 to index
      %swap3A_91 = arith.index_cast %mul3A_11 : i32 to index
      %swap3A_92 = tpu.vector_load %arg7[%swap3A_90, %swap3A_91] {strides = array<i32>} : memref<64x128xf32, #tpu.memory_space<vmem>>, vector<16xf32>,
      tpu.vector_store %arg7[%swap3A_90, %swap3A_91], %scan3A_16#18 {strides = array<i32>} : memref<64x128xf32, #tpu.memory_space<vmem>>, vector<16xf32>,
      %swap3A_93 = arith.constant 19 : i32
      %swap3A_94 = arith.index_cast %swap3A_93 : i32 to index
      %swap3A_95 = arith.index_cast %mul3A_11 : i32 to index
      %swap3A_96 = tpu.vector_load %arg7[%swap3A_94, %swap3A_95] {strides = array<i32>} : memref<64x128xf32, #tpu.memory_space<vmem>>, vector<16xf32>,
      tpu.vector_store %arg7[%swap3A_94, %swap3A_95], %scan3A_16#19 {strides = array<i32>} : memref<64x128xf32, #tpu.memory_space<vmem>>, vector<16xf32>,
      %swap3A_97 = arith.constant 20 : i32
      %swap3A_98 = arith.index_cast %swap3A_97 : i32 to index
      %swap3A_99 = arith.index_cast %mul3A_11 : i32 to index
      %swap3A_100 = tpu.vector_load %arg7[%swap3A_98, %swap3A_99] {strides = array<i32>} : memref<64x128xf32, #tpu.memory_space<vmem>>, vector<16xf32>,
      tpu.vector_store %arg7[%swap3A_98, %swap3A_99], %scan3A_16#20 {strides = array<i32>} : memref<64x128xf32, #tpu.memory_space<vmem>>, vector<16xf32>,
      %swap3A_101 = arith.constant 21 : i32
      %swap3A_102 = arith.index_cast %swap3A_101 : i32 to index
      %swap3A_103 = arith.index_cast %mul3A_11 : i32 to index
      %swap3A_104 = tpu.vector_load %arg7[%swap3A_102, %swap3A_103] {strides = array<i32>} : memref<64x128xf32, #tpu.memory_space<vmem>>, vector<16xf32>,
      tpu.vector_store %arg7[%swap3A_102, %swap3A_103], %scan3A_16#21 {strides = array<i32>} : memref<64x128xf32, #tpu.memory_space<vmem>>, vector<16xf32>,
      %swap3A_105 = arith.constant 22 : i32
      %swap3A_106 = arith.index_cast %swap3A_105 : i32 to index
      %swap3A_107 = arith.index_cast %mul3A_11 : i32 to index
      %swap3A_108 = tpu.vector_load %arg7[%swap3A_106, %swap3A_107] {strides = array<i32>} : memref<64x128xf32, #tpu.memory_space<vmem>>, vector<16xf32>,
      tpu.vector_store %arg7[%swap3A_106, %swap3A_107], %scan3A_16#22 {strides = array<i32>} : memref<64x128xf32, #tpu.memory_space<vmem>>, vector<16xf32>,
      %swap3A_109 = arith.constant 23 : i32
      %swap3A_110 = arith.index_cast %swap3A_109 : i32 to index
      %swap3A_111 = arith.index_cast %mul3A_11 : i32 to index
      %swap3A_112 = tpu.vector_load %arg7[%swap3A_110, %swap3A_111] {strides = array<i32>} : memref<64x128xf32, #tpu.memory_space<vmem>>, vector<16xf32>,
      tpu.vector_store %arg7[%swap3A_110, %swap3A_111], %scan3A_16#23 {strides = array<i32>} : memref<64x128xf32, #tpu.memory_space<vmem>>, vector<16xf32>,
      %swap3A_113 = arith.constant 24 : i32
      %swap3A_114 = arith.index_cast %swap3A_113 : i32 to index
      %swap3A_115 = arith.index_cast %mul3A_11 : i32 to index
      %swap3A_116 = tpu.vector_load %arg7[%swap3A_114, %swap3A_115] {strides = array<i32>} : memref<64x128xf32, #tpu.memory_space<vmem>>, vector<16xf32>,
      tpu.vector_store %arg7[%swap3A_114, %swap3A_115], %scan3A_16#24 {strides = array<i32>} : memref<64x128xf32, #tpu.memory_space<vmem>>, vector<16xf32>,
      %swap3A_117 = arith.constant 25 : i32
      %swap3A_118 = arith.index_cast %swap3A_117 : i32 to index
      %swap3A_119 = arith.index_cast %mul3A_11 : i32 to index
      %swap3A_120 = tpu.vector_load %arg7[%swap3A_118, %swap3A_119] {strides = array<i32>} : memref<64x128xf32, #tpu.memory_space<vmem>>, vector<16xf32>,
      tpu.vector_store %arg7[%swap3A_118, %swap3A_119], %scan3A_16#25 {strides = array<i32>} : memref<64x128xf32, #tpu.memory_space<vmem>>, vector<16xf32>,
      %swap3A_121 = arith.constant 26 : i32
      %swap3A_122 = arith.index_cast %swap3A_121 : i32 to index
      %swap3A_123 = arith.index_cast %mul3A_11 : i32 to index
      %swap3A_124 = tpu.vector_load %arg7[%swap3A_122, %swap3A_123] {strides = array<i32>} : memref<64x128xf32, #tpu.memory_space<vmem>>, vector<16xf32>,
      tpu.vector_store %arg7[%swap3A_122, %swap3A_123], %scan3A_16#26 {strides = array<i32>} : memref<64x128xf32, #tpu.memory_space<vmem>>, vector<16xf32>,
      %swap3A_125 = arith.constant 27 : i32
      %swap3A_126 = arith.index_cast %swap3A_125 : i32 to index
      %swap3A_127 = arith.index_cast %mul3A_11 : i32 to index
      %swap3A_128 = tpu.vector_load %arg7[%swap3A_126, %swap3A_127] {strides = array<i32>} : memref<64x128xf32, #tpu.memory_space<vmem>>, vector<16xf32>,
      tpu.vector_store %arg7[%swap3A_126, %swap3A_127], %scan3A_16#27 {strides = array<i32>} : memref<64x128xf32, #tpu.memory_space<vmem>>, vector<16xf32>,
      %swap3A_129 = arith.constant 28 : i32
      %swap3A_130 = arith.index_cast %swap3A_129 : i32 to index
      %swap3A_131 = arith.index_cast %mul3A_11 : i32 to index
      %swap3A_132 = tpu.vector_load %arg7[%swap3A_130, %swap3A_131] {strides = array<i32>} : memref<64x128xf32, #tpu.memory_space<vmem>>, vector<16xf32>,
      tpu.vector_store %arg7[%swap3A_130, %swap3A_131], %scan3A_16#28 {strides = array<i32>} : memref<64x128xf32, #tpu.memory_space<vmem>>, vector<16xf32>,
      %swap3A_133 = arith.constant 29 : i32
      %swap3A_134 = arith.index_cast %swap3A_133 : i32 to index
      %swap3A_135 = arith.index_cast %mul3A_11 : i32 to index
      %swap3A_136 = tpu.vector_load %arg7[%swap3A_134, %swap3A_135] {strides = array<i32>} : memref<64x128xf32, #tpu.memory_space<vmem>>, vector<16xf32>,
      tpu.vector_store %arg7[%swap3A_134, %swap3A_135], %scan3A_16#29 {strides = array<i32>} : memref<64x128xf32, #tpu.memory_space<vmem>>, vector<16xf32>,
      %swap3A_137 = arith.constant 30 : i32
      %swap3A_138 = arith.index_cast %swap3A_137 : i32 to index
      %swap3A_139 = arith.index_cast %mul3A_11 : i32 to index
      %swap3A_140 = tpu.vector_load %arg7[%swap3A_138, %swap3A_139] {strides = array<i32>} : memref<64x128xf32, #tpu.memory_space<vmem>>, vector<16xf32>,
      tpu.vector_store %arg7[%swap3A_138, %swap3A_139], %scan3A_16#30 {strides = array<i32>} : memref<64x128xf32, #tpu.memory_space<vmem>>, vector<16xf32>,
      %swap3A_141 = arith.constant 31 : i32
      %swap3A_142 = arith.index_cast %swap3A_141 : i32 to index
      %swap3A_143 = arith.index_cast %mul3A_11 : i32 to index
      %swap3A_144 = tpu.vector_load %arg7[%swap3A_142, %swap3A_143] {strides = array<i32>} : memref<64x128xf32, #tpu.memory_space<vmem>>, vector<16xf32>,
      tpu.vector_store %arg7[%swap3A_142, %swap3A_143], %scan3A_16#31 {strides = array<i32>} : memref<64x128xf32, #tpu.memory_space<vmem>>, vector<16xf32>,
      %scan3A_145 = arith.constant 0 : i32
      %scan3A_146 = arith.constant 50 : i32
      %scan3A_147 = arith.addi %scan3A_145, %scan3A_146 : i32
      %scan3A_148 = arith.constant 1 : i32
      %scan3A_149:32 = scf.for %scan3A_279 = %scan3A_145 to %scan3A_147 step %scan3A_148 iter_args(%scan3A_280 = %broadcast_in_dim3A_3, %scan3A_281 = %broadcast_in_dim3A_3, %scan3A_282 = %broadcast_in_dim3A_3, %scan3A_283 = %broadcast_in_dim3A_3, %scan3A_284 = %broadcast_in_dim3A_3, %scan3A_285 = %broadcast_in_dim3A_3, %scan3A_286 = %broadcast_in_dim3A_3, %scan3A_287 = %broadcast_in_dim3A_3, %scan3A_288 = %broadcast_in_dim3A_3, %scan3A_289 = %broadcast_in_dim3A_3, %scan3A_290 = %broadcast_in_dim3A_3, %scan3A_291 = %broadcast_in_dim3A_3, %scan3A_292 = %broadcast_in_dim3A_3, %scan3A_293 = %broadcast_in_dim3A_3, %scan3A_294 = %broadcast_in_dim3A_3, %scan3A_295 = %broadcast_in_dim3A_3, %scan3A_296 = %broadcast_in_dim3A_3, %scan3A_297 = %broadcast_in_dim3A_3, %scan3A_298 = %broadcast_in_dim3A_3, %scan3A_299 = %broadcast_in_dim3A_3, %scan3A_300 = %broadcast_in_dim3A_3, %scan3A_301 = %broadcast_in_dim3A_3, %scan3A_302 = %broadcast_in_dim3A_3, %scan3A_303 = %broadcast_in_dim3A_3, %scan3A_304 = %broadcast_in_dim3A_3, %scan3A_305 = %broadcast_in_dim3A_3, %scan3A_306 = %broadcast_in_dim3A_3, %scan3A_307 = %broadcast_in_dim3A_3, %scan3A_308 = %broadcast_in_dim3A_3, %scan3A_309 = %broadcast_in_dim3A_3, %scan3A_310 = %broadcast_in_dim3A_3, %scan3A_311 = %broadcast_in_dim3A_3) -> (vector<16xf32>, vector<16xf32>, vector<16xf32>, vector<16xf32>, vector<16xf32>, vector<16xf32>, vector<16xf32>, vector<16xf32>, vector<16xf32>, vector<16xf32>, vector<16xf32>, vector<16xf32>, vector<16xf32>, vector<16xf32>, vector<16xf32>, vector<16xf32>, vector<16xf32>, vector<16xf32>, vector<16xf32>, vector<16xf32>, vector<16xf32>, vector<16xf32>, vector<16xf32>, vector<16xf32>, vector<16xf32>, vector<16xf32>, vector<16xf32>, vector<16xf32>, vector<16xf32>, vector<16xf32>, vector<16xf32>, vector<16xf32>)  : i32 {
        %get3A = arith.index_cast %scan3A_279 : i32 to index
        %get3A_312 = arith.index_cast %mul3A_11 : i32 to index
        %get3A_313 = tpu.vector_load %arg5[%get3A, %get3A_312] {strides = array<i32>} : memref<50x128xi32, #tpu.memory_space<vmem>>, vector<16xi32>,
        %mul3A_314 = arith.constant 33 : i32
        %mul3A_315 = vector.broadcast %mul3A_314 : i32 to vector<16xi32>
        %mul3A_316 = arith.muli %get3A_313, %mul3A_315 : vector<16xi32>
        %add3A_317 = arith.constant 16 : i32
        %add3A_318 = vector.broadcast %add3A_317 : i32 to vector<16xi32>
        %add3A_319 = arith.addi %mul3A_316, %add3A_318 : vector<16xi32>
        %add3A_320 = arith.constant 0 : i32
        %add3A_321 = vector.broadcast %add3A_320 : i32 to vector<16xi32>
        %add3A_322 = arith.addi %add3A_319, %add3A_321 : vector<16xi32>
        %gather3A = tpu.vector_load_idx %arg6[%add3A_322] : memref<33000xi32, #tpu.memory_space<vmem>>[vector<16xi32>], vector<16xi32>,
        %bitcast3A = vector.bitcast %gather3A : vector<16xi32> to vector<32xbf16>
        %unpack3A = tpu.unpack_subelements %bitcast3A, 0 {pack_format = #tpu.pack_format<interleaved>} : vector<32xbf16> -> vector<16xf32>
        %unpack3A_323 = tpu.unpack_subelements %bitcast3A, 1 {pack_format = #tpu.pack_format<interleaved>} : vector<32xbf16> -> vector<16xf32>
        %add3A_324 = arith.addf %scan3A_280, %unpack3A : vector<16xf32>
        %add3A_325 = arith.addf %scan3A_281, %unpack3A_323 : vector<16xf32>
        %add3A_326 = arith.constant 1 : i32
        %add3A_327 = vector.broadcast %add3A_326 : i32 to vector<16xi32>
        %add3A_328 = arith.addi %add3A_319, %add3A_327 : vector<16xi32>
        %gather3A_329 = tpu.vector_load_idx %arg6[%add3A_328] : memref<33000xi32, #tpu.memory_space<vmem>>[vector<16xi32>], vector<16xi32>,
        %bitcast3A_330 = vector.bitcast %gather3A_329 : vector<16xi32> to vector<32xbf16>
        %unpack3A_331 = tpu.unpack_subelements %bitcast3A_330, 0 {pack_format = #tpu.pack_format<interleaved>} : vector<32xbf16> -> vector<16xf32>
        %unpack3A_332 = tpu.unpack_subelements %bitcast3A_330, 1 {pack_format = #tpu.pack_format<interleaved>} : vector<32xbf16> -> vector<16xf32>
        %add3A_333 = arith.addf %scan3A_282, %unpack3A_331 : vector<16xf32>
        %add3A_334 = arith.addf %scan3A_283, %unpack3A_332 : vector<16xf32>
        %add3A_335 = arith.constant 2 : i32
        %add3A_336 = vector.broadcast %add3A_335 : i32 to vector<16xi32>
        %add3A_337 = arith.addi %add3A_319, %add3A_336 : vector<16xi32>
        %gather3A_338 = tpu.vector_load_idx %arg6[%add3A_337] : memref<33000xi32, #tpu.memory_space<vmem>>[vector<16xi32>], vector<16xi32>,
        %bitcast3A_339 = vector.bitcast %gather3A_338 : vector<16xi32> to vector<32xbf16>
        %unpack3A_340 = tpu.unpack_subelements %bitcast3A_339, 0 {pack_format = #tpu.pack_format<interleaved>} : vector<32xbf16> -> vector<16xf32>
        %unpack3A_341 = tpu.unpack_subelements %bitcast3A_339, 1 {pack_format = #tpu.pack_format<interleaved>} : vector<32xbf16> -> vector<16xf32>
        %add3A_342 = arith.addf %scan3A_284, %unpack3A_340 : vector<16xf32>
        %add3A_343 = arith.addf %scan3A_285, %unpack3A_341 : vector<16xf32>
        %add3A_344 = arith.constant 3 : i32
        %add3A_345 = vector.broadcast %add3A_344 : i32 to vector<16xi32>
        %add3A_346 = arith.addi %add3A_319, %add3A_345 : vector<16xi32>
        %gather3A_347 = tpu.vector_load_idx %arg6[%add3A_346] : memref<33000xi32, #tpu.memory_space<vmem>>[vector<16xi32>], vector<16xi32>,
        %bitcast3A_348 = vector.bitcast %gather3A_347 : vector<16xi32> to vector<32xbf16>
        %unpack3A_349 = tpu.unpack_subelements %bitcast3A_348, 0 {pack_format = #tpu.pack_format<interleaved>} : vector<32xbf16> -> vector<16xf32>
        %unpack3A_350 = tpu.unpack_subelements %bitcast3A_348, 1 {pack_format = #tpu.pack_format<interleaved>} : vector<32xbf16> -> vector<16xf32>
        %add3A_351 = arith.addf %scan3A_286, %unpack3A_349 : vector<16xf32>
        %add3A_352 = arith.addf %scan3A_287, %unpack3A_350 : vector<16xf32>
        %add3A_353 = arith.constant 4 : i32
        %add3A_354 = vector.broadcast %add3A_353 : i32 to vector<16xi32>
        %add3A_355 = arith.addi %add3A_319, %add3A_354 : vector<16xi32>
        %gather3A_356 = tpu.vector_load_idx %arg6[%add3A_355] : memref<33000xi32, #tpu.memory_space<vmem>>[vector<16xi32>], vector<16xi32>,
        %bitcast3A_357 = vector.bitcast %gather3A_356 : vector<16xi32> to vector<32xbf16>
        %unpack3A_358 = tpu.unpack_subelements %bitcast3A_357, 0 {pack_format = #tpu.pack_format<interleaved>} : vector<32xbf16> -> vector<16xf32>
        %unpack3A_359 = tpu.unpack_subelements %bitcast3A_357, 1 {pack_format = #tpu.pack_format<interleaved>} : vector<32xbf16> -> vector<16xf32>
        %add3A_360 = arith.addf %scan3A_288, %unpack3A_358 : vector<16xf32>
        %add3A_361 = arith.addf %scan3A_289, %unpack3A_359 : vector<16xf32>
        %add3A_362 = arith.constant 5 : i32
        %add3A_363 = vector.broadcast %add3A_362 : i32 to vector<16xi32>
        %add3A_364 = arith.addi %add3A_319, %add3A_363 : vector<16xi32>
        %gather3A_365 = tpu.vector_load_idx %arg6[%add3A_364] : memref<33000xi32, #tpu.memory_space<vmem>>[vector<16xi32>], vector<16xi32>,
        %bitcast3A_366 = vector.bitcast %gather3A_365 : vector<16xi32> to vector<32xbf16>
        %unpack3A_367 = tpu.unpack_subelements %bitcast3A_366, 0 {pack_format = #tpu.pack_format<interleaved>} : vector<32xbf16> -> vector<16xf32>
        %unpack3A_368 = tpu.unpack_subelements %bitcast3A_366, 1 {pack_format = #tpu.pack_format<interleaved>} : vector<32xbf16> -> vector<16xf32>
        %add3A_369 = arith.addf %scan3A_290, %unpack3A_367 : vector<16xf32>
        %add3A_370 = arith.addf %scan3A_291, %unpack3A_368 : vector<16xf32>
        %add3A_371 = arith.constant 6 : i32
        %add3A_372 = vector.broadcast %add3A_371 : i32 to vector<16xi32>
        %add3A_373 = arith.addi %add3A_319, %add3A_372 : vector<16xi32>
        %gather3A_374 = tpu.vector_load_idx %arg6[%add3A_373] : memref<33000xi32, #tpu.memory_space<vmem>>[vector<16xi32>], vector<16xi32>,
        %bitcast3A_375 = vector.bitcast %gather3A_374 : vector<16xi32> to vector<32xbf16>
        %unpack3A_376 = tpu.unpack_subelements %bitcast3A_375, 0 {pack_format = #tpu.pack_format<interleaved>} : vector<32xbf16> -> vector<16xf32>
        %unpack3A_377 = tpu.unpack_subelements %bitcast3A_375, 1 {pack_format = #tpu.pack_format<interleaved>} : vector<32xbf16> -> vector<16xf32>
        %add3A_378 = arith.addf %scan3A_292, %unpack3A_376 : vector<16xf32>
        %add3A_379 = arith.addf %scan3A_293, %unpack3A_377 : vector<16xf32>
        %add3A_380 = arith.constant 7 : i32
        %add3A_381 = vector.broadcast %add3A_380 : i32 to vector<16xi32>
        %add3A_382 = arith.addi %add3A_319, %add3A_381 : vector<16xi32>
        %gather3A_383 = tpu.vector_load_idx %arg6[%add3A_382] : memref<33000xi32, #tpu.memory_space<vmem>>[vector<16xi32>], vector<16xi32>,
        %bitcast3A_384 = vector.bitcast %gather3A_383 : vector<16xi32> to vector<32xbf16>
        %unpack3A_385 = tpu.unpack_subelements %bitcast3A_384, 0 {pack_format = #tpu.pack_format<interleaved>} : vector<32xbf16> -> vector<16xf32>
        %unpack3A_386 = tpu.unpack_subelements %bitcast3A_384, 1 {pack_format = #tpu.pack_format<interleaved>} : vector<32xbf16> -> vector<16xf32>
        %add3A_387 = arith.addf %scan3A_294, %unpack3A_385 : vector<16xf32>
        %add3A_388 = arith.addf %scan3A_295, %unpack3A_386 : vector<16xf32>
        %add3A_389 = arith.constant 8 : i32
        %add3A_390 = vector.broadcast %add3A_389 : i32 to vector<16xi32>
        %add3A_391 = arith.addi %add3A_319, %add3A_390 : vector<16xi32>
        %gather3A_392 = tpu.vector_load_idx %arg6[%add3A_391] : memref<33000xi32, #tpu.memory_space<vmem>>[vector<16xi32>], vector<16xi32>,
        %bitcast3A_393 = vector.bitcast %gather3A_392 : vector<16xi32> to vector<32xbf16>
        %unpack3A_394 = tpu.unpack_subelements %bitcast3A_393, 0 {pack_format = #tpu.pack_format<interleaved>} : vector<32xbf16> -> vector<16xf32>
        %unpack3A_395 = tpu.unpack_subelements %bitcast3A_393, 1 {pack_format = #tpu.pack_format<interleaved>} : vector<32xbf16> -> vector<16xf32>
        %add3A_396 = arith.addf %scan3A_296, %unpack3A_394 : vector<16xf32>
        %add3A_397 = arith.addf %scan3A_297, %unpack3A_395 : vector<16xf32>
        %add3A_398 = arith.constant 9 : i32
        %add3A_399 = vector.broadcast %add3A_398 : i32 to vector<16xi32>
        %add3A_400 = arith.addi %add3A_319, %add3A_399 : vector<16xi32>
        %gather3A_401 = tpu.vector_load_idx %arg6[%add3A_400] : memref<33000xi32, #tpu.memory_space<vmem>>[vector<16xi32>], vector<16xi32>,
        %bitcast3A_402 = vector.bitcast %gather3A_401 : vector<16xi32> to vector<32xbf16>
        %unpack3A_403 = tpu.unpack_subelements %bitcast3A_402, 0 {pack_format = #tpu.pack_format<interleaved>} : vector<32xbf16> -> vector<16xf32>
        %unpack3A_404 = tpu.unpack_subelements %bitcast3A_402, 1 {pack_format = #tpu.pack_format<interleaved>} : vector<32xbf16> -> vector<16xf32>
        %add3A_405 = arith.addf %scan3A_298, %unpack3A_403 : vector<16xf32>
        %add3A_406 = arith.addf %scan3A_299, %unpack3A_404 : vector<16xf32>
        %add3A_407 = arith.constant 10 : i32
        %add3A_408 = vector.broadcast %add3A_407 : i32 to vector<16xi32>
        %add3A_409 = arith.addi %add3A_319, %add3A_408 : vector<16xi32>
        %gather3A_410 = tpu.vector_load_idx %arg6[%add3A_409] : memref<33000xi32, #tpu.memory_space<vmem>>[vector<16xi32>], vector<16xi32>,
        %bitcast3A_411 = vector.bitcast %gather3A_410 : vector<16xi32> to vector<32xbf16>
        %unpack3A_412 = tpu.unpack_subelements %bitcast3A_411, 0 {pack_format = #tpu.pack_format<interleaved>} : vector<32xbf16> -> vector<16xf32>
        %unpack3A_413 = tpu.unpack_subelements %bitcast3A_411, 1 {pack_format = #tpu.pack_format<interleaved>} : vector<32xbf16> -> vector<16xf32>
        %add3A_414 = arith.addf %scan3A_300, %unpack3A_412 : vector<16xf32>
        %add3A_415 = arith.addf %scan3A_301, %unpack3A_413 : vector<16xf32>
        %add3A_416 = arith.constant 11 : i32
        %add3A_417 = vector.broadcast %add3A_416 : i32 to vector<16xi32>
        %add3A_418 = arith.addi %add3A_319, %add3A_417 : vector<16xi32>
        %gather3A_419 = tpu.vector_load_idx %arg6[%add3A_418] : memref<33000xi32, #tpu.memory_space<vmem>>[vector<16xi32>], vector<16xi32>,
        %bitcast3A_420 = vector.bitcast %gather3A_419 : vector<16xi32> to vector<32xbf16>
        %unpack3A_421 = tpu.unpack_subelements %bitcast3A_420, 0 {pack_format = #tpu.pack_format<interleaved>} : vector<32xbf16> -> vector<16xf32>
        %unpack3A_422 = tpu.unpack_subelements %bitcast3A_420, 1 {pack_format = #tpu.pack_format<interleaved>} : vector<32xbf16> -> vector<16xf32>
        %add3A_423 = arith.addf %scan3A_302, %unpack3A_421 : vector<16xf32>
        %add3A_424 = arith.addf %scan3A_303, %unpack3A_422 : vector<16xf32>
        %add3A_425 = arith.constant 12 : i32
        %add3A_426 = vector.broadcast %add3A_425 : i32 to vector<16xi32>
        %add3A_427 = arith.addi %add3A_319, %add3A_426 : vector<16xi32>
        %gather3A_428 = tpu.vector_load_idx %arg6[%add3A_427] : memref<33000xi32, #tpu.memory_space<vmem>>[vector<16xi32>], vector<16xi32>,
        %bitcast3A_429 = vector.bitcast %gather3A_428 : vector<16xi32> to vector<32xbf16>
        %unpack3A_430 = tpu.unpack_subelements %bitcast3A_429, 0 {pack_format = #tpu.pack_format<interleaved>} : vector<32xbf16> -> vector<16xf32>
        %unpack3A_431 = tpu.unpack_subelements %bitcast3A_429, 1 {pack_format = #tpu.pack_format<interleaved>} : vector<32xbf16> -> vector<16xf32>
        %add3A_432 = arith.addf %scan3A_304, %unpack3A_430 : vector<16xf32>
        %add3A_433 = arith.addf %scan3A_305, %unpack3A_431 : vector<16xf32>
        %add3A_434 = arith.constant 13 : i32
        %add3A_435 = vector.broadcast %add3A_434 : i32 to vector<16xi32>
        %add3A_436 = arith.addi %add3A_319, %add3A_435 : vector<16xi32>
        %gather3A_437 = tpu.vector_load_idx %arg6[%add3A_436] : memref<33000xi32, #tpu.memory_space<vmem>>[vector<16xi32>], vector<16xi32>,
        %bitcast3A_438 = vector.bitcast %gather3A_437 : vector<16xi32> to vector<32xbf16>
        %unpack3A_439 = tpu.unpack_subelements %bitcast3A_438, 0 {pack_format = #tpu.pack_format<interleaved>} : vector<32xbf16> -> vector<16xf32>
        %unpack3A_440 = tpu.unpack_subelements %bitcast3A_438, 1 {pack_format = #tpu.pack_format<interleaved>} : vector<32xbf16> -> vector<16xf32>
        %add3A_441 = arith.addf %scan3A_306, %unpack3A_439 : vector<16xf32>
        %add3A_442 = arith.addf %scan3A_307, %unpack3A_440 : vector<16xf32>
        %add3A_443 = arith.constant 14 : i32
        %add3A_444 = vector.broadcast %add3A_443 : i32 to vector<16xi32>
        %add3A_445 = arith.addi %add3A_319, %add3A_444 : vector<16xi32>
        %gather3A_446 = tpu.vector_load_idx %arg6[%add3A_445] : memref<33000xi32, #tpu.memory_space<vmem>>[vector<16xi32>], vector<16xi32>,
        %bitcast3A_447 = vector.bitcast %gather3A_446 : vector<16xi32> to vector<32xbf16>
        %unpack3A_448 = tpu.unpack_subelements %bitcast3A_447, 0 {pack_format = #tpu.pack_format<interleaved>} : vector<32xbf16> -> vector<16xf32>
        %unpack3A_449 = tpu.unpack_subelements %bitcast3A_447, 1 {pack_format = #tpu.pack_format<interleaved>} : vector<32xbf16> -> vector<16xf32>
        %add3A_450 = arith.addf %scan3A_308, %unpack3A_448 : vector<16xf32>
        %add3A_451 = arith.addf %scan3A_309, %unpack3A_449 : vector<16xf32>
        %add3A_452 = arith.constant 15 : i32
        %add3A_453 = vector.broadcast %add3A_452 : i32 to vector<16xi32>
        %add3A_454 = arith.addi %add3A_319, %add3A_453 : vector<16xi32>
        %gather3A_455 = tpu.vector_load_idx %arg6[%add3A_454] : memref<33000xi32, #tpu.memory_space<vmem>>[vector<16xi32>], vector<16xi32>,
        %bitcast3A_456 = vector.bitcast %gather3A_455 : vector<16xi32> to vector<32xbf16>
        %unpack3A_457 = tpu.unpack_subelements %bitcast3A_456, 0 {pack_format = #tpu.pack_format<interleaved>} : vector<32xbf16> -> vector<16xf32>
        %unpack3A_458 = tpu.unpack_subelements %bitcast3A_456, 1 {pack_format = #tpu.pack_format<interleaved>} : vector<32xbf16> -> vector<16xf32>
        %add3A_459 = arith.addf %scan3A_310, %unpack3A_457 : vector<16xf32>
        %add3A_460 = arith.addf %scan3A_311, %unpack3A_458 : vector<16xf32>
        scf.yield %add3A_324, %add3A_325, %add3A_333, %add3A_334, %add3A_342, %add3A_343, %add3A_351, %add3A_352, %add3A_360, %add3A_361, %add3A_369, %add3A_370, %add3A_378, %add3A_379, %add3A_387, %add3A_388, %add3A_396, %add3A_397, %add3A_405, %add3A_406, %add3A_414, %add3A_415, %add3A_423, %add3A_424, %add3A_432, %add3A_433, %add3A_441, %add3A_442, %add3A_450, %add3A_451, %add3A_459, %add3A_460 : vector<16xf32>, vector<16xf32>, vector<16xf32>, vector<16xf32>, vector<16xf32>, vector<16xf32>, vector<16xf32>, vector<16xf32>, vector<16xf32>, vector<16xf32>, vector<16xf32>, vector<16xf32>, vector<16xf32>, vector<16xf32>, vector<16xf32>, vector<16xf32>, vector<16xf32>, vector<16xf32>, vector<16xf32>, vector<16xf32>, vector<16xf32>, vector<16xf32>, vector<16xf32>, vector<16xf32>, vector<16xf32>, vector<16xf32>, vector<16xf32>, vector<16xf32>, vector<16xf32>, vector<16xf32>, vector<16xf32>, vector<16xf32>
      }
      %scan3A_150 = arith.constant 50 : i32
      %swap3A_151 = arith.constant 32 : i32
      %swap3A_152 = arith.index_cast %swap3A_151 : i32 to index
      %swap3A_153 = arith.index_cast %mul3A_11 : i32 to index
      %swap3A_154 = tpu.vector_load %arg7[%swap3A_152, %swap3A_153] {strides = array<i32>} : memref<64x128xf32, #tpu.memory_space<vmem>>, vector<16xf32>,
      tpu.vector_store %arg7[%swap3A_152, %swap3A_153], %scan3A_149#0 {strides = array<i32>} : memref<64x128xf32, #tpu.memory_space<vmem>>, vector<16xf32>,
      %swap3A_155 = arith.constant 33 : i32
      %swap3A_156 = arith.index_cast %swap3A_155 : i32 to index
      %swap3A_157 = arith.index_cast %mul3A_11 : i32 to index
      %swap3A_158 = tpu.vector_load %arg7[%swap3A_156, %swap3A_157] {strides = array<i32>} : memref<64x128xf32, #tpu.memory_space<vmem>>, vector<16xf32>,
      tpu.vector_store %arg7[%swap3A_156, %swap3A_157], %scan3A_149#1 {strides = array<i32>} : memref<64x128xf32, #tpu.memory_space<vmem>>, vector<16xf32>,
      %swap3A_159 = arith.constant 34 : i32
      %swap3A_160 = arith.index_cast %swap3A_159 : i32 to index
      %swap3A_161 = arith.index_cast %mul3A_11 : i32 to index
      %swap3A_162 = tpu.vector_load %arg7[%swap3A_160, %swap3A_161] {strides = array<i32>} : memref<64x128xf32, #tpu.memory_space<vmem>>, vector<16xf32>,
      tpu.vector_store %arg7[%swap3A_160, %swap3A_161], %scan3A_149#2 {strides = array<i32>} : memref<64x128xf32, #tpu.memory_space<vmem>>, vector<16xf32>,
      %swap3A_163 = arith.constant 35 : i32
      %swap3A_164 = arith.index_cast %swap3A_163 : i32 to index
      %swap3A_165 = arith.index_cast %mul3A_11 : i32 to index
      %swap3A_166 = tpu.vector_load %arg7[%swap3A_164, %swap3A_165] {strides = array<i32>} : memref<64x128xf32, #tpu.memory_space<vmem>>, vector<16xf32>,
      tpu.vector_store %arg7[%swap3A_164, %swap3A_165], %scan3A_149#3 {strides = array<i32>} : memref<64x128xf32, #tpu.memory_space<vmem>>, vector<16xf32>,
      %swap3A_167 = arith.constant 36 : i32
      %swap3A_168 = arith.index_cast %swap3A_167 : i32 to index
      %swap3A_169 = arith.index_cast %mul3A_11 : i32 to index
      %swap3A_170 = tpu.vector_load %arg7[%swap3A_168, %swap3A_169] {strides = array<i32>} : memref<64x128xf32, #tpu.memory_space<vmem>>, vector<16xf32>,
      tpu.vector_store %arg7[%swap3A_168, %swap3A_169], %scan3A_149#4 {strides = array<i32>} : memref<64x128xf32, #tpu.memory_space<vmem>>, vector<16xf32>,
      %swap3A_171 = arith.constant 37 : i32
      %swap3A_172 = arith.index_cast %swap3A_171 : i32 to index
      %swap3A_173 = arith.index_cast %mul3A_11 : i32 to index
      %swap3A_174 = tpu.vector_load %arg7[%swap3A_172, %swap3A_173] {strides = array<i32>} : memref<64x128xf32, #tpu.memory_space<vmem>>, vector<16xf32>,
      tpu.vector_store %arg7[%swap3A_172, %swap3A_173], %scan3A_149#5 {strides = array<i32>} : memref<64x128xf32, #tpu.memory_space<vmem>>, vector<16xf32>,
      %swap3A_175 = arith.constant 38 : i32
      %swap3A_176 = arith.index_cast %swap3A_175 : i32 to index
      %swap3A_177 = arith.index_cast %mul3A_11 : i32 to index
      %swap3A_178 = tpu.vector_load %arg7[%swap3A_176, %swap3A_177] {strides = array<i32>} : memref<64x128xf32, #tpu.memory_space<vmem>>, vector<16xf32>,
      tpu.vector_store %arg7[%swap3A_176, %swap3A_177], %scan3A_149#6 {strides = array<i32>} : memref<64x128xf32, #tpu.memory_space<vmem>>, vector<16xf32>,
      %swap3A_179 = arith.constant 39 : i32
      %swap3A_180 = arith.index_cast %swap3A_179 : i32 to index
      %swap3A_181 = arith.index_cast %mul3A_11 : i32 to index
      %swap3A_182 = tpu.vector_load %arg7[%swap3A_180, %swap3A_181] {strides = array<i32>} : memref<64x128xf32, #tpu.memory_space<vmem>>, vector<16xf32>,
      tpu.vector_store %arg7[%swap3A_180, %swap3A_181], %scan3A_149#7 {strides = array<i32>} : memref<64x128xf32, #tpu.memory_space<vmem>>, vector<16xf32>,
      %swap3A_183 = arith.constant 40 : i32
      %swap3A_184 = arith.index_cast %swap3A_183 : i32 to index
      %swap3A_185 = arith.index_cast %mul3A_11 : i32 to index
      %swap3A_186 = tpu.vector_load %arg7[%swap3A_184, %swap3A_185] {strides = array<i32>} : memref<64x128xf32, #tpu.memory_space<vmem>>, vector<16xf32>,
      tpu.vector_store %arg7[%swap3A_184, %swap3A_185], %scan3A_149#8 {strides = array<i32>} : memref<64x128xf32, #tpu.memory_space<vmem>>, vector<16xf32>,
      %swap3A_187 = arith.constant 41 : i32
      %swap3A_188 = arith.index_cast %swap3A_187 : i32 to index
      %swap3A_189 = arith.index_cast %mul3A_11 : i32 to index
      %swap3A_190 = tpu.vector_load %arg7[%swap3A_188, %swap3A_189] {strides = array<i32>} : memref<64x128xf32, #tpu.memory_space<vmem>>, vector<16xf32>,
      tpu.vector_store %arg7[%swap3A_188, %swap3A_189], %scan3A_149#9 {strides = array<i32>} : memref<64x128xf32, #tpu.memory_space<vmem>>, vector<16xf32>,
      %swap3A_191 = arith.constant 42 : i32
      %swap3A_192 = arith.index_cast %swap3A_191 : i32 to index
      %swap3A_193 = arith.index_cast %mul3A_11 : i32 to index
      %swap3A_194 = tpu.vector_load %arg7[%swap3A_192, %swap3A_193] {strides = array<i32>} : memref<64x128xf32, #tpu.memory_space<vmem>>, vector<16xf32>,
      tpu.vector_store %arg7[%swap3A_192, %swap3A_193], %scan3A_149#10 {strides = array<i32>} : memref<64x128xf32, #tpu.memory_space<vmem>>, vector<16xf32>,
      %swap3A_195 = arith.constant 43 : i32
      %swap3A_196 = arith.index_cast %swap3A_195 : i32 to index
      %swap3A_197 = arith.index_cast %mul3A_11 : i32 to index
      %swap3A_198 = tpu.vector_load %arg7[%swap3A_196, %swap3A_197] {strides = array<i32>} : memref<64x128xf32, #tpu.memory_space<vmem>>, vector<16xf32>,
      tpu.vector_store %arg7[%swap3A_196, %swap3A_197], %scan3A_149#11 {strides = array<i32>} : memref<64x128xf32, #tpu.memory_space<vmem>>, vector<16xf32>,
      %swap3A_199 = arith.constant 44 : i32
      %swap3A_200 = arith.index_cast %swap3A_199 : i32 to index
      %swap3A_201 = arith.index_cast %mul3A_11 : i32 to index
      %swap3A_202 = tpu.vector_load %arg7[%swap3A_200, %swap3A_201] {strides = array<i32>} : memref<64x128xf32, #tpu.memory_space<vmem>>, vector<16xf32>,
      tpu.vector_store %arg7[%swap3A_200, %swap3A_201], %scan3A_149#12 {strides = array<i32>} : memref<64x128xf32, #tpu.memory_space<vmem>>, vector<16xf32>,
      %swap3A_203 = arith.constant 45 : i32
      %swap3A_204 = arith.index_cast %swap3A_203 : i32 to index
      %swap3A_205 = arith.index_cast %mul3A_11 : i32 to index
      %swap3A_206 = tpu.vector_load %arg7[%swap3A_204, %swap3A_205] {strides = array<i32>} : memref<64x128xf32, #tpu.memory_space<vmem>>, vector<16xf32>,
      tpu.vector_store %arg7[%swap3A_204, %swap3A_205], %scan3A_149#13 {strides = array<i32>} : memref<64x128xf32, #tpu.memory_space<vmem>>, vector<16xf32>,
      %swap3A_207 = arith.constant 46 : i32
      %swap3A_208 = arith.index_cast %swap3A_207 : i32 to index
      %swap3A_209 = arith.index_cast %mul3A_11 : i32 to index
      %swap3A_210 = tpu.vector_load %arg7[%swap3A_208, %swap3A_209] {strides = array<i32>} : memref<64x128xf32, #tpu.memory_space<vmem>>, vector<16xf32>,
      tpu.vector_store %arg7[%swap3A_208, %swap3A_209], %scan3A_149#14 {strides = array<i32>} : memref<64x128xf32, #tpu.memory_space<vmem>>, vector<16xf32>,
      %swap3A_211 = arith.constant 47 : i32
      %swap3A_212 = arith.index_cast %swap3A_211 : i32 to index
      %swap3A_213 = arith.index_cast %mul3A_11 : i32 to index
      %swap3A_214 = tpu.vector_load %arg7[%swap3A_212, %swap3A_213] {strides = array<i32>} : memref<64x128xf32, #tpu.memory_space<vmem>>, vector<16xf32>,
      tpu.vector_store %arg7[%swap3A_212, %swap3A_213], %scan3A_149#15 {strides = array<i32>} : memref<64x128xf32, #tpu.memory_space<vmem>>, vector<16xf32>,
      %swap3A_215 = arith.constant 48 : i32
      %swap3A_216 = arith.index_cast %swap3A_215 : i32 to index
      %swap3A_217 = arith.index_cast %mul3A_11 : i32 to index
      %swap3A_218 = tpu.vector_load %arg7[%swap3A_216, %swap3A_217] {strides = array<i32>} : memref<64x128xf32, #tpu.memory_space<vmem>>, vector<16xf32>,
      tpu.vector_store %arg7[%swap3A_216, %swap3A_217], %scan3A_149#16 {strides = array<i32>} : memref<64x128xf32, #tpu.memory_space<vmem>>, vector<16xf32>,
      %swap3A_219 = arith.constant 49 : i32
      %swap3A_220 = arith.index_cast %swap3A_219 : i32 to index
      %swap3A_221 = arith.index_cast %mul3A_11 : i32 to index
      %swap3A_222 = tpu.vector_load %arg7[%swap3A_220, %swap3A_221] {strides = array<i32>} : memref<64x128xf32, #tpu.memory_space<vmem>>, vector<16xf32>,
      tpu.vector_store %arg7[%swap3A_220, %swap3A_221], %scan3A_149#17 {strides = array<i32>} : memref<64x128xf32, #tpu.memory_space<vmem>>, vector<16xf32>,
      %swap3A_223 = arith.constant 50 : i32
      %swap3A_224 = arith.index_cast %swap3A_223 : i32 to index
      %swap3A_225 = arith.index_cast %mul3A_11 : i32 to index
      %swap3A_226 = tpu.vector_load %arg7[%swap3A_224, %swap3A_225] {strides = array<i32>} : memref<64x128xf32, #tpu.memory_space<vmem>>, vector<16xf32>,
      tpu.vector_store %arg7[%swap3A_224, %swap3A_225], %scan3A_149#18 {strides = array<i32>} : memref<64x128xf32, #tpu.memory_space<vmem>>, vector<16xf32>,
      %swap3A_227 = arith.constant 51 : i32
      %swap3A_228 = arith.index_cast %swap3A_227 : i32 to index
      %swap3A_229 = arith.index_cast %mul3A_11 : i32 to index
      %swap3A_230 = tpu.vector_load %arg7[%swap3A_228, %swap3A_229] {strides = array<i32>} : memref<64x128xf32, #tpu.memory_space<vmem>>, vector<16xf32>,
      tpu.vector_store %arg7[%swap3A_228, %swap3A_229], %scan3A_149#19 {strides = array<i32>} : memref<64x128xf32, #tpu.memory_space<vmem>>, vector<16xf32>,
      %swap3A_231 = arith.constant 52 : i32
      %swap3A_232 = arith.index_cast %swap3A_231 : i32 to index
      %swap3A_233 = arith.index_cast %mul3A_11 : i32 to index
      %swap3A_234 = tpu.vector_load %arg7[%swap3A_232, %swap3A_233] {strides = array<i32>} : memref<64x128xf32, #tpu.memory_space<vmem>>, vector<16xf32>,
      tpu.vector_store %arg7[%swap3A_232, %swap3A_233], %scan3A_149#20 {strides = array<i32>} : memref<64x128xf32, #tpu.memory_space<vmem>>, vector<16xf32>,
      %swap3A_235 = arith.constant 53 : i32
      %swap3A_236 = arith.index_cast %swap3A_235 : i32 to index
      %swap3A_237 = arith.index_cast %mul3A_11 : i32 to index
      %swap3A_238 = tpu.vector_load %arg7[%swap3A_236, %swap3A_237] {strides = array<i32>} : memref<64x128xf32, #tpu.memory_space<vmem>>, vector<16xf32>,
      tpu.vector_store %arg7[%swap3A_236, %swap3A_237], %scan3A_149#21 {strides = array<i32>} : memref<64x128xf32, #tpu.memory_space<vmem>>, vector<16xf32>,
      %swap3A_239 = arith.constant 54 : i32
      %swap3A_240 = arith.index_cast %swap3A_239 : i32 to index
      %swap3A_241 = arith.index_cast %mul3A_11 : i32 to index
      %swap3A_242 = tpu.vector_load %arg7[%swap3A_240, %swap3A_241] {strides = array<i32>} : memref<64x128xf32, #tpu.memory_space<vmem>>, vector<16xf32>,
      tpu.vector_store %arg7[%swap3A_240, %swap3A_241], %scan3A_149#22 {strides = array<i32>} : memref<64x128xf32, #tpu.memory_space<vmem>>, vector<16xf32>,
      %swap3A_243 = arith.constant 55 : i32
      %swap3A_244 = arith.index_cast %swap3A_243 : i32 to index
      %swap3A_245 = arith.index_cast %mul3A_11 : i32 to index
      %swap3A_246 = tpu.vector_load %arg7[%swap3A_244, %swap3A_245] {strides = array<i32>} : memref<64x128xf32, #tpu.memory_space<vmem>>, vector<16xf32>,
      tpu.vector_store %arg7[%swap3A_244, %swap3A_245], %scan3A_149#23 {strides = array<i32>} : memref<64x128xf32, #tpu.memory_space<vmem>>, vector<16xf32>,
      %swap3A_247 = arith.constant 56 : i32
      %swap3A_248 = arith.index_cast %swap3A_247 : i32 to index
      %swap3A_249 = arith.index_cast %mul3A_11 : i32 to index
      %swap3A_250 = tpu.vector_load %arg7[%swap3A_248, %swap3A_249] {strides = array<i32>} : memref<64x128xf32, #tpu.memory_space<vmem>>, vector<16xf32>,
      tpu.vector_store %arg7[%swap3A_248, %swap3A_249], %scan3A_149#24 {strides = array<i32>} : memref<64x128xf32, #tpu.memory_space<vmem>>, vector<16xf32>,
      %swap3A_251 = arith.constant 57 : i32
      %swap3A_252 = arith.index_cast %swap3A_251 : i32 to index
      %swap3A_253 = arith.index_cast %mul3A_11 : i32 to index
      %swap3A_254 = tpu.vector_load %arg7[%swap3A_252, %swap3A_253] {strides = array<i32>} : memref<64x128xf32, #tpu.memory_space<vmem>>, vector<16xf32>,
      tpu.vector_store %arg7[%swap3A_252, %swap3A_253], %scan3A_149#25 {strides = array<i32>} : memref<64x128xf32, #tpu.memory_space<vmem>>, vector<16xf32>,
      %swap3A_255 = arith.constant 58 : i32
      %swap3A_256 = arith.index_cast %swap3A_255 : i32 to index
      %swap3A_257 = arith.index_cast %mul3A_11 : i32 to index
      %swap3A_258 = tpu.vector_load %arg7[%swap3A_256, %swap3A_257] {strides = array<i32>} : memref<64x128xf32, #tpu.memory_space<vmem>>, vector<16xf32>,
      tpu.vector_store %arg7[%swap3A_256, %swap3A_257], %scan3A_149#26 {strides = array<i32>} : memref<64x128xf32, #tpu.memory_space<vmem>>, vector<16xf32>,
      %swap3A_259 = arith.constant 59 : i32
      %swap3A_260 = arith.index_cast %swap3A_259 : i32 to index
      %swap3A_261 = arith.index_cast %mul3A_11 : i32 to index
      %swap3A_262 = tpu.vector_load %arg7[%swap3A_260, %swap3A_261] {strides = array<i32>} : memref<64x128xf32, #tpu.memory_space<vmem>>, vector<16xf32>,
      tpu.vector_store %arg7[%swap3A_260, %swap3A_261], %scan3A_149#27 {strides = array<i32>} : memref<64x128xf32, #tpu.memory_space<vmem>>, vector<16xf32>,
      %swap3A_263 = arith.constant 60 : i32
      %swap3A_264 = arith.index_cast %swap3A_263 : i32 to index
      %swap3A_265 = arith.index_cast %mul3A_11 : i32 to index
      %swap3A_266 = tpu.vector_load %arg7[%swap3A_264, %swap3A_265] {strides = array<i32>} : memref<64x128xf32, #tpu.memory_space<vmem>>, vector<16xf32>,
      tpu.vector_store %arg7[%swap3A_264, %swap3A_265], %scan3A_149#28 {strides = array<i32>} : memref<64x128xf32, #tpu.memory_space<vmem>>, vector<16xf32>,
      %swap3A_267 = arith.constant 61 : i32
      %swap3A_268 = arith.index_cast %swap3A_267 : i32 to index
      %swap3A_269 = arith.index_cast %mul3A_11 : i32 to index
      %swap3A_270 = tpu.vector_load %arg7[%swap3A_268, %swap3A_269] {strides = array<i32>} : memref<64x128xf32, #tpu.memory_space<vmem>>, vector<16xf32>,
      tpu.vector_store %arg7[%swap3A_268, %swap3A_269], %scan3A_149#29 {strides = array<i32>} : memref<64x128xf32, #tpu.memory_space<vmem>>, vector<16xf32>,
      %swap3A_271 = arith.constant 62 : i32
      %swap3A_272 = arith.index_cast %swap3A_271 : i32 to index
      %swap3A_273 = arith.index_cast %mul3A_11 : i32 to index
      %swap3A_274 = tpu.vector_load %arg7[%swap3A_272, %swap3A_273] {strides = array<i32>} : memref<64x128xf32, #tpu.memory_space<vmem>>, vector<16xf32>,
      tpu.vector_store %arg7[%swap3A_272, %swap3A_273], %scan3A_149#30 {strides = array<i32>} : memref<64x128xf32, #tpu.memory_space<vmem>>, vector<16xf32>,
      %swap3A_275 = arith.constant 63 : i32
      %swap3A_276 = arith.index_cast %swap3A_275 : i32 to index
      %swap3A_277 = arith.index_cast %mul3A_11 : i32 to index
      %swap3A_278 = tpu.vector_load %arg7[%swap3A_276, %swap3A_277] {strides = array<i32>} : memref<64x128xf32, #tpu.memory_space<vmem>>, vector<16xf32>,
      tpu.vector_store %arg7[%swap3A_276, %swap3A_277], %scan3A_149#31 {strides = array<i32>} : memref<64x128xf32, #tpu.memory_space<vmem>>, vector<16xf32>,
    }
    %scan3A_8 = arith.constant 8 : i32
    "tpu.region"() ({
      %run_scoped3A = tpu.sem_alloc : memref<!tpu.dma_semaphore, #tpu.memory_space<semaphore_mem>>
      %dma_start3A = arith.constant 0 : i32
      %dma_start3A_9 = tpu.memref_slice %arg4[%dma_start3A, %mul3A_2] : memref<64x4096xf32, #tpu.memory_space<hbm>> -> memref<64x128xf32, #tpu.memory_space<hbm>>
      %dma_start3A_10 = arith.constant 0 : i32
      %dma_start3A_11 = tpu.memref_slice %arg4[%dma_start3A_10, %mul3A_2] : memref<64x4096xf32, #tpu.memory_space<hbm>> -> memref<64x128xf32, #tpu.memory_space<hbm>>
      tpu.enqueue_dma source(%arg7 : memref<64x128xf32, #tpu.memory_space<vmem>>) target(%dma_start3A_11 : memref<64x128xf32, #tpu.memory_space<hbm>>) target_semaphore(%run_scoped3A : memref<!tpu.dma_semaphore, #tpu.memory_space<semaphore_mem>>)
      %dma_wait3A = arith.constant 0 : i32
      %dma_wait3A_12 = tpu.memref_slice %arg4[%dma_wait3A, %mul3A_2] : memref<64x4096xf32, #tpu.memory_space<hbm>> -> memref<64x128xf32, #tpu.memory_space<hbm>>
      %dma_wait3A_13 = arith.constant 0 : i32
      %dma_wait3A_14 = tpu.memref_slice %arg4[%dma_wait3A_13, %mul3A_2] : memref<64x4096xf32, #tpu.memory_space<hbm>> -> memref<64x128xf32, #tpu.memory_space<hbm>>
      tpu.wait_dma2 semaphore(%run_scoped3A : memref<!tpu.dma_semaphore, #tpu.memory_space<semaphore_mem>>) src(%arg7 : memref<64x128xf32, #tpu.memory_space<vmem>>) dst(%dma_wait3A_14 : memref<64x128xf32, #tpu.memory_space<hbm>>)
      tpu.yield
    }) : () -> ()
    return
  }
}

module attributes {stable_mosaic.version = 14 : i64} {
  func.func @_proj_body(%arg0: memref<1000x300xf32, #tpu.memory_space<vmem>>, %arg1: memref<64x300xf32, #tpu.memory_space<vmem>>, %arg2: memref<1x64xf32, #tpu.memory_space<vmem>>, %arg3: memref<1x64xf32, #tpu.memory_space<vmem>>, %arg4: memref<1000x64xbf16, #tpu.memory_space<vmem>>) attributes {dimension_semantics = [], scalar_prefetch = 0 : i64, scratch_operands = 0 : i64, tpu.core_type = #tpu.core_type<tc>} {
    %get3A = arith.constant 0 : index
    %get3A_0 = arith.constant 0 : index
    %get3A_1 = vector.load %arg2[%get3A, %get3A_0] : memref<1x64xf32, #tpu.memory_space<vmem>>, vector<1x64xf32>
    %get3A_2 = arith.constant 0 : index
    %get3A_3 = arith.constant 0 : index
    %get3A_4 = vector.load %arg3[%get3A_2, %get3A_3] : memref<1x64xf32, #tpu.memory_space<vmem>>, vector<1x64xf32>
    %add3A = arith.constant 9.99999974E-6 : f32
    %add3A_5 = vector.broadcast %add3A : f32 to vector<1x64xf32>
    %add3A_6 = arith.addf %get3A_4, %add3A_5 : vector<1x64xf32>
    %rsqrt3A = math.rsqrt %add3A_6 : vector<1x64xf32>
    %mul3A = arith.mulf %get3A_1, %rsqrt3A : vector<1x64xf32>
    %get3A_7 = arith.constant 0 : index
    %get3A_8 = arith.constant 0 : index
    %get3A_9 = vector.load %arg0[%get3A_7, %get3A_8] : memref<1000x300xf32, #tpu.memory_space<vmem>>, vector<1000x300xf32>
    %get3A_10 = arith.constant 0 : index
    %get3A_11 = arith.constant 0 : index
    %get3A_12 = vector.load %arg1[%get3A_10, %get3A_11] : memref<64x300xf32, #tpu.memory_space<vmem>>, vector<64x300xf32>
    %dot_general3A = arith.constant dense<0.000000e+00> : vector<1000x64xf32>
    %dot_general3A_13 = tpu.matmul %get3A_9, %get3A_12, %dot_general3A {dimension_numbers = #tpu.dot_dimension_numbers<[1], [1], [0], [0], [0, 0, 1, 0], [], []>, transpose_lhs_hint = false} : vector<1000x300xf32>, vector<64x300xf32>, vector<1000x64xf32> -> vector<1000x64xf32>
    %mul3A_14 = arith.constant 2.000000e-02 : f32
    %mul3A_15 = vector.broadcast %mul3A_14 : f32 to vector<1x64xf32>
    %mul3A_16 = arith.mulf %mul3A, %mul3A_15 : vector<1x64xf32>
    %mul3A_17 = vector.broadcast %mul3A_16 : vector<1x64xf32> to vector<1000x64xf32>
    %mul3A_18 = arith.mulf %dot_general3A_13, %mul3A_17 : vector<1000x64xf32>
    %convert_element_type3A = arith.truncf %mul3A_18 : vector<1000x64xf32> to vector<1000x64xbf16>
    %swap3A = arith.constant 0 : index
    %swap3A_19 = arith.constant 0 : index
    %swap3A_20 = vector.load %arg4[%swap3A, %swap3A_19] : memref<1000x64xbf16, #tpu.memory_space<vmem>>, vector<1000x64xbf16>
    tpu.vector_store %arg4[%swap3A, %swap3A_19], %convert_element_type3A {strides = array<i32>} : memref<1000x64xbf16, #tpu.memory_space<vmem>>, vector<1000x64xbf16>,
    return
  }
}

module attributes {stable_mosaic.version = 14 : i64} {
  func.func @_head_body(%arg0: memref<64x4096xf32, #tpu.memory_space<vmem>>, %arg1: memref<14x64xf32, #tpu.memory_space<vmem>>, %arg2: memref<64x1xf32, #tpu.memory_space<vmem>>, %arg3: memref<64x1xf32, #tpu.memory_space<vmem>>, %arg4: memref<64x1xf32, #tpu.memory_space<vmem>>, %arg5: memref<64x1xf32, #tpu.memory_space<vmem>>, %arg6: memref<64x1xf32, #tpu.memory_space<vmem>>, %arg7: memref<14x1xf32, #tpu.memory_space<vmem>>, %arg8: memref<14x4096xf32, #tpu.memory_space<vmem>>) attributes {dimension_semantics = [], scalar_prefetch = 0 : i64, scratch_operands = 0 : i64, tpu.core_type = #tpu.core_type<tc>} {
    %get3A = arith.constant 0 : index
    %get3A_0 = arith.constant 0 : index
    %get3A_1 = vector.load %arg3[%get3A, %get3A_0] : memref<64x1xf32, #tpu.memory_space<vmem>>, vector<64x1xf32>
    %get3A_2 = arith.constant 0 : index
    %get3A_3 = arith.constant 0 : index
    %get3A_4 = vector.load %arg6[%get3A_2, %get3A_3] : memref<64x1xf32, #tpu.memory_space<vmem>>, vector<64x1xf32>
    %add3A = arith.constant 9.99999974E-6 : f32
    %add3A_5 = vector.broadcast %add3A : f32 to vector<64x1xf32>
    %add3A_6 = arith.addf %get3A_4, %add3A_5 : vector<64x1xf32>
    %rsqrt3A = math.rsqrt %add3A_6 : vector<64x1xf32>
    %mul3A = arith.mulf %get3A_1, %rsqrt3A : vector<64x1xf32>
    %get3A_7 = arith.constant 0 : index
    %get3A_8 = arith.constant 0 : index
    %get3A_9 = vector.load %arg2[%get3A_7, %get3A_8] : memref<64x1xf32, #tpu.memory_space<vmem>>, vector<64x1xf32>
    %mul3A_10 = arith.mulf %get3A_9, %mul3A : vector<64x1xf32>
    %get3A_11 = arith.constant 0 : index
    %get3A_12 = arith.constant 0 : index
    %get3A_13 = vector.load %arg4[%get3A_11, %get3A_12] : memref<64x1xf32, #tpu.memory_space<vmem>>, vector<64x1xf32>
    %add3A_14 = arith.addf %mul3A_10, %get3A_13 : vector<64x1xf32>
    %get3A_15 = arith.constant 0 : index
    %get3A_16 = arith.constant 0 : index
    %get3A_17 = vector.load %arg5[%get3A_15, %get3A_16] : memref<64x1xf32, #tpu.memory_space<vmem>>, vector<64x1xf32>
    %mul3A_18 = arith.mulf %get3A_17, %mul3A : vector<64x1xf32>
    %sub3A = arith.subf %add3A_14, %mul3A_18 : vector<64x1xf32>
    %get3A_19 = arith.constant 0 : index
    %get3A_20 = arith.constant 0 : index
    %get3A_21 = vector.load %arg0[%get3A_19, %get3A_20] : memref<64x4096xf32, #tpu.memory_space<vmem>>, vector<64x4096xf32>
    %add3A_22 = vector.broadcast %sub3A : vector<64x1xf32> to vector<64x4096xf32>
    %add3A_23 = arith.addf %get3A_21, %add3A_22 : vector<64x4096xf32>
    %max3A = arith.constant 0.000000e+00 : f32
    %max3A_24 = vector.broadcast %max3A : f32 to vector<64x4096xf32>
    %max3A_25 = arith.maximumf %add3A_23, %max3A_24 : vector<64x4096xf32>
    %get3A_26 = arith.constant 0 : index
    %get3A_27 = arith.constant 0 : index
    %get3A_28 = vector.load %arg1[%get3A_26, %get3A_27] : memref<14x64xf32, #tpu.memory_space<vmem>>, vector<14x64xf32>
    %dot_general3A = arith.constant dense<0.000000e+00> : vector<14x4096xf32>
    %dot_general3A_29 = tpu.matmul %get3A_28, %max3A_25, %dot_general3A {dimension_numbers = #tpu.dot_dimension_numbers<[1], [0], [0], [1], [0, 0, 1, 1], [], []>, transpose_lhs_hint = false} : vector<14x64xf32>, vector<64x4096xf32>, vector<14x4096xf32> -> vector<14x4096xf32>
    %get3A_30 = arith.constant 0 : index
    %get3A_31 = arith.constant 0 : index
    %get3A_32 = vector.load %arg7[%get3A_30, %get3A_31] : memref<14x1xf32, #tpu.memory_space<vmem>>, vector<14x1xf32>
    %add3A_33 = vector.broadcast %get3A_32 : vector<14x1xf32> to vector<14x4096xf32>
    %add3A_34 = arith.addf %dot_general3A_29, %add3A_33 : vector<14x4096xf32>
    %swap3A = arith.constant 0 : index
    %swap3A_35 = arith.constant 0 : index
    %swap3A_36 = vector.load %arg8[%swap3A, %swap3A_35] : memref<14x4096xf32, #tpu.memory_space<vmem>>, vector<14x4096xf32>
    tpu.vector_store %arg8[%swap3A, %swap3A_35], %add3A_34 {strides = array<i32>} : memref<14x4096xf32, #tpu.memory_space<vmem>>, vector<14x4096xf32>,
    return
  }
}

</mosaic_0001>

<sc_bundles>
// kernel: kernel.5.cloned.1.call-start
scs
__scs_entry_jumppad:
0x0: {  	(pc) =	sbr.rel $0x88, $3  }
0x1: {  	(tag) =	ssettag $0x0;
	lr =	simm.s32 $0x1  }
0x2: {  	[smem:$0x3F97] =	sst lr;
	_ =	strace $0xD0000000  }
0x3: {  	_ = 	snop  }
0x4: {  	_ = 	snop  }
0x5: {  	_ = 	snop  }
0x6: {  	_ = 	snop  }
0x7: {  	_ = 	snop  }
__scs_overlays_trampoline_lowered:
0x8: {  	[smem:$0x3FA6] =	sst s0  }
0x9: {  	[smem:$0x3FA7] =	sst s1  }
0xa: {  	[smem:$0x3FA8] =	sst s2  }
0xb: {  	[smem:$0x3FA9] =	sst s3  }
0xc: {  	[smem:$0x3FAA] =	sst s4  }
0xd: {  	[smem:$0x3FAB] =	sst s5  }
0xe: {  	[smem:$0x3FAC] =	sst s6  }
0xf: {  	[smem:$0x3FAD] =	sst s7  }
0x10: {  	[smem:$0x3FAE] =	sst s8  }
0x11: {  	[smem:$0x3FAF] =	sst s9;
	s0 =	simm.s32 @!p0 $0x0  }
0x12: {  	s1 =	sld [smem:$0x3F95];
	s0 =	simm.s32 @p0 $0x1  }
0x13: {  	[smem:$0x3FB0] =	sst s0;
	s0 =	simm.s32 @!p1 $0x0  }
0x14: {  	s2 =	sld [smem:$0x3F94];
	s0 =	simm.s32 @p1 $0x1  }
0x15: {  	[smem:$0x3FB1] =	sst s0;
	s0 =	simm.s32 @!p2 $0x0  }
0x16: {  	s3 =	sld [smem:$0x3FDB];
	s0 =	simm.s32 @p2 $0x1  }
0x17: {  	s4 =	simm.s32 $0x1BF5;
	[smem:$0x3FB3] =	sst s0  }
0x18: {  	s0 =	sld [smem:$0x3F96];
	_ =	swait.ge [sflag:s4], $0x0  }
0x19: {  	s7 =	sld [smem:$0x3F97]  }
0x1a: {  	s8 =	sadd.s32 $0xFFFFE003, lr  }
0x1b: {  	s9 =	sadd.s32 $0xFFFFFEF7, lr;
	s5 =	simm.s32 $0xFFFFFFFF;
	p2 =	slt.u32 s8, $0xFFFFF086  }
0x1c: {  	p1 =	slt.u32 s9, $0xF7A;
	s5 =	simm.s32 @!p2 $0x0  }
0x1d: {  	s5 =	simm.s32 @p1 $0x1;
	p0 =	seq.s32 s7, s2  }
0x1e: {  	s7 =	smul.u32 @!p0 $0xF7A, s2;
	p2 =	seq.s32 @!p0 s5, $0x0  }
0x1f: {  	s9 =	smul.u32 $0xF7A, s1;
	s8 =	simm.s32 @!p0 $0x1BF5;
	p2 =	por !p2, p0  }
0x20: {  	[sflag:s8] =	ssyncset.s32 @!p0 $0xFFFFF086;
	s6 =	sadd.s32 @!p0 s3, s7;
	s7 =	simm.s32 @!p0 $0x108  }
0x21: {  	s3 =	sadd.s32 s3, s9;
	s6 =	sadd.s32 @!p0 $0x88, s6;
	s7 =	simm.s32 @p2 $0x1082  }
0x22: {  	[simem:s7], [sflag:s8] =	dma.local @!p0 [hbm:s6], $0xF7A  }
0x23: {  	s9 =	sor.u32 $0xD0000000, s2;
	s6 =	simm.s32 $0x108;
	_ =	swait.ge @!p0 [sflag:s8], $0x0  }
0x24: {  	s3 =	sadd.s32 $0x88, s3;
	s6 =	simm.s32 @!p1 $0x1082;
	[sflag:s4] =	ssyncset.s32 $0xFFFFF086  }
0x25: {  	[simem:s6], [sflag:s4] =	dma.local [hbm:s3], $0xF7A  }
0x26: {  	[smem:$0x3F97] =	sst s1;
	(tag) =	ssettag s2;
	_ =	strace s9  }
0x27: {  	s1 =	sld [smem:$0x3FA7]  }
0x28: {  	s2 =	sld [smem:$0x3FA8]  }
0x29: {  	s4 =	sld [smem:$0x3FAA]  }
0x2a: {  	p0 =	seq.s32 s5, $0x0;
	s5 =	sld [smem:$0x3FAB]  }
0x2b: {  	s6 =	sld [smem:$0x3FAC]  }
0x2c: {  	s7 =	sld [smem:$0x3FAD]  }
0x2d: {  	s3 =	simm.s32 $0x108;
	s8 =	sld [smem:$0x3FAE]  }
0x2e: {  	s3 =	simm.s32 @!p0 $0x1082;
	s9 =	sld [smem:$0x3FAF]  }
0x2f: {  	lr =	sadd.s32 s0, s3;
	s0 =	sld [smem:$0x3FA6]  }
0x30: {  	s3 =	sld [smem:$0x3FA9]  }
0x31: {  	[smem:$0x3FB2] =	sst s10  }
0x32: {  	s10 =	sld [smem:$0x3FB0];
	_ =	sdelay $0x3  }
0x33: {  	p0 =	seq.s32 s10, $0x1;
	s10 =	sld [smem:$0x3FB2];
	_ =	sdelay $0x3  }
0x34: {  	[smem:$0x3FB2] =	sst s10  }
0x35: {  	s10 =	sld [smem:$0x3FB1];
	_ =	sdelay $0x3  }
0x36: {  	p1 =	seq.s32 s10, $0x1;
	s10 =	sld [smem:$0x3FB2];
	_ =	sdelay $0x3  }
0x37: {  	[smem:$0x3FB2] =	sst s10  }
0x38: {  	s10 =	sld [smem:$0x3FB3]  }
0x39: {  	_ = 	snop;
	(pc) =	sbr.ind lr, $3  }
0x3a: {  	_ = 	snop  }
0x3b: {  	_ = 	snop  }
0x3c: {  	p2 =	seq.s32 s10, $0x1;
	s10 =	sld [smem:$0x3FB2]  }
0x3d: {  	_ =	shalt  }
0x3e: {  	_ =	shalt  }
0x3f: {  	_ =	shalt  }
0x40: {  	_ =	shalt  }
0x41: {  	_ =	shalt  }
0x42: {  	_ =	shalt  }
0x43: {  	_ =	shalt  }
0x44: {  	_ =	shalt  }
0x45: {  	_ =	shalt  }
0x46: {  	_ =	shalt  }
0x47: {  	_ =	shalt  }
0x48: {  	_ =	shalt  }
0x49: {  	_ =	shalt  }
0x4a: {  	_ =	shalt  }
0x4b: {  	_ =	shalt  }
0x4c: {  	_ =	shalt  }
0x4d: {  	_ =	shalt  }
0x4e: {  	_ =	shalt  }
0x4f: {  	_ =	shalt  }
0x50: {  	_ =	shalt  }
0x51: {  	_ =	shalt  }
0x52: {  	_ =	shalt  }
0x53: {  	_ =	shalt  }
0x54: {  	_ =	shalt  }
0x55: {  	_ =	shalt  }
0x56: {  	_ =	shalt  }
0x57: {  	_ =	shalt  }
0x58: {  	_ =	shalt  }
0x59: {  	_ =	shalt  }
0x5a: {  	_ =	shalt  }
0x5b: {  	_ =	shalt  }
0x5c: {  	_ =	shalt  }
0x5d: {  	_ =	shalt  }
0x5e: {  	_ =	shalt  }
0x5f: {  	_ =	shalt  }
0x60: {  	_ =	shalt  }
0x61: {  	_ =	shalt  }
0x62: {  	_ =	shalt  }
0x63: {  	_ =	shalt  }
0x64: {  	_ =	shalt  }
0x65: {  	_ =	shalt  }
0x66: {  	_ =	shalt  }
0x67: {  	_ =	shalt  }
0x68: {  	_ =	shalt  }
0x69: {  	_ =	shalt  }
0x6a: {  	_ =	shalt  }
0x6b: {  	_ =	shalt  }
0x6c: {  	_ =	shalt  }
0x6d: {  	_ =	shalt  }
0x6e: {  	_ =	shalt  }
0x6f: {  	_ =	shalt  }
0x70: {  	_ =	shalt  }
0x71: {  	_ =	shalt  }
0x72: {  	_ =	shalt  }
0x73: {  	_ =	shalt  }
0x74: {  	_ =	shalt  }
0x75: {  	_ =	shalt  }
0x76: {  	_ =	shalt  }
0x77: {  	_ =	shalt  }
0x78: {  	_ =	shalt  }
0x79: {  	_ =	shalt  }
0x7a: {  	_ =	shalt  }
0x7b: {  	_ =	shalt  }
0x7c: {  	_ =	shalt  }
0x7d: {  	_ =	shalt  }
0x7e: {  	_ =	shalt  }
0x7f: {  	_ =	shalt  }
0x80: {  	_ =	shalt  }
0x81: {  	_ =	shalt  }
0x82: {  	_ =	shalt  }
0x83: {  	_ =	shalt  }
0x84: {  	_ =	shalt  }
0x85: {  	_ =	shalt  }
0x86: {  	_ =	shalt  }
0x87: {  	_ =	shalt  }
.Lfunc_end0:
.L_simem_size_0:
called_computation_lowered:
.L_overlay_start_0:
0x88: {  	s2 =	sld [smem:$0x3FD9]  }
0x89: {  	s3 =	sld [smem:$0x3FFE];
	_ =	sdelay $0x1  }
0x8a: {  	s1 =	srdreg.scid  }
0x8b: {  	s0 =	sand.u32 $0x1, s1  }
0x8c: {  	s17 =	sshll.u32 s0, $0xA;
	s2 =	sadd.s32 s3, s2  }
0x8d: {  	s2 =	sadd.s32 s2, s17  }
0x8e: {  	[smem:$0x3FBE] =	sst s2  }
0x8f: {  	_ = 	snop  }
0x90: {  	s2 =	sld [smem:$0x3FC9]  }
0x91: {  	s18 =	sld [smem:$0x3FD0];
	(tm) =	ssettm $0x1  }
0x92: {  	s4 =	sld [smem:$0x3FFB];
	_ =	sdelay $0x3  }
0x93: {  	_ =	strace s4  }
0x94: {  	s4 =	sld [smem:$0x3FFC];
	_ =	sdelay $0x3  }
0x95: {  	_ =	strace s4  }
0x96: {  	s4 =	sld [smem:$0x3FFD];
	_ =	sdelay $0x3  }
0x97: {  	_ =	strace s4  }
0x98: {  	_ =	strace $0x8FFFFFFF  }
0x99: {  	s19 =	sld [smem:$0x3FDB];
	_ =	sdelay $0x1  }
0x9a: {  	s5 =	simm.s32 $_scs_section_size  }
0x9b: {  	s6 =	simm.s32 $_size__tile_overlayer_lowered;
	s7 =	simm.s32 $_tile_overlayer_lowered  }
0x9c: {  	s22 =	simm.s32 $0x1BFF;
	s21 =	sshll.u32 s7, $0x1;
	s4 =	sadd.s32 s5, s19  }
0x9d: {  	s8 =	simm.s32 $0x0;
	s20 =	sshll.u32 s6, $0x1;
	s6 =	sadd.s32 s21, s4  }
0x9e: {  	[timem:s8], [sflag:s22] =	dma.local [hbm:s6], s20  }
0x9f: {  	_ =	swait.ge [sflag:s22], s20  }
0xa0: {  	s5 =	ssub.s32 $0x0, s20;
	[sflag:s22] =	ssyncset.done $0x0  }
0xa1: {  	[sflag:s22] =	ssyncadd.s32 s5;
	_ =	sdelay $0x1  }
0xa2: {  	s23 =	simm.s32 $0x1B8B  }
0xa3: {  	_ =	swait.ge [sflag:s23], $0x1  }
0xa4: {  	[sflag:s23] =	ssyncset.done $0x0  }
0xa5: {  	s25 =	simm.s32 $0x1B8E;
	s24 =	sld [smem:$0x3FFE];
	[sflag:s23] =	ssyncadd.s32 $0xFFFFFFFF  }
0xa6: {  	s26 =	simm.s32 $execute0_lowered;
	[smem:$0x3FD2] =	sst s25  }
0xa7: {  	s6 =	sshll.u32 s26, $0x1;
	_ =	strace $0x80000046;
	[dreg:$0x1] =	wrdreg $0xFFFFFFFF  }
0xa8: {  	s28 =	simm.s32 $_size_execute0_lowered;
	s4 =	sadd.s32 s4, s6;
	[dreg:$0x0] =	wrdreg $0x0  }
0xa9: {  	s6 =	sshll.u32 s28, $0x1;
	[dreg:$0x2] =	wrdreg s4  }
0xaa: {  	[dreg:$0x3] =	wrdreg s6  }
0xab: {  	[dreg:$0x4] =	wrdreg $0xC0  }
0xac: {  	_ =	task [dreg:s8], $0x5FFFF  }
0xad: {  	[dreg:$0x1] =	wrdreg $0xFFFFFFFF  }
0xae: {  	[dreg:$0x0] =	wrdreg $0x60  }
0xaf: {  	[dreg:$0x2] =	wrdreg s2  }
0xb0: {  	[dreg:$0x3] =	wrdreg s18  }
0xb1: {  	[dreg:$0x4] =	wrdreg s24  }
0xb2: {  	[dreg:$0x5] =	wrdreg $0x9  }
0xb3: {  	_ =	task.clear_ibuf [dreg:s8], $0x6FFFF;
	_ =	strace $0x90000046  }
0xb4: {  	s29 =	simm.s32 $0x9;
	_ =	strace $0x80000048  }
0xb5: {  	_ =	swait.ge [sflag:s29], $0x1  }
0xb6: {  	[sflag:s29] =	ssyncadd.s32 $0xFFFFFFFF  }
0xb7: {  	_ =	strace $0x90000048  }
0xb8: {  	_ =	sfence  }
0xb9: {  	s30 =	sld [smem:$0x0];
	_ =	sdelay $0x2  }
0xba: {  	s31 =	sshll.u32 s1, $0xD;
	s1 =	sshrl.u32 s1, $0x2  }
0xbb: {  	s3 =	sand.u32 $0x4000, s31;
	s1 =	sadd.s32 s1, s30  }
0xbc: {  	s0 =	sor.u32 s3, s0;
	s1 =	sshll.u32 s1, $0x11  }
0xbd: {  	s0 =	sor.u32 s1, s0  }
0xbe: {  	s0 =	sadd.s32 $0x8F2B, s0  }
0xbf: {  	[sflag:s0] =	ssyncadd.remote.s32 $0x1  }
0xc0: {  	_ =	sfence.sel $0xFFFF  }
0xc1: {  	[dreg:$0x0] =	wrdreg $0xFFFFFFFF;
	(pc) =	sbr.abs _section_cstart, $3  }
0xc2: {  	[dreg:$0x1] =	wrdreg $0xFFFFFFFF  }
0xc3: {  	_ =	task.clear_ibuf [dreg:s8], $0x2FFFF;
	_ =	strace $0x9FFFFFFF  }
0xc4: {  	(tm) =	ssettm $0x7FFFFFFF  }
0xc5: {  	_ =	shalt  }
tec
execute0_lowered:
.L_overlay_start_1:
0x0: {  	(tag) =	ssettag $0x1  }
0x1: {  	s4 =	rddreg [dreg:$0x0]  }
0x2: {  	s1 =	rddreg [dreg:$0x1]  }
0x3: {  	s5 =	rddreg [dreg:$0x2]  }
0x4: {  	s0 =	rddreg [dreg:$0x3];
	s6 =	srdreg.scid  }
0x5: {  	s3 =	simm.s32 $0x0;
	s2 =	stileid.u32;
	s9 =	simm.s32 $0x400  }
0x6: {  	s10 =	simm.s32 $0x8000;
	s11 =	simm.s32 $0x1800;
	s12 =	simm.s32 $0x2  }
0x7: {  	s13 =	simm.s32 $0x1;
	s14 =	simm.s32 $0x9D00;
	s6 =	sand.u32 $0x1, s6  }
0x8: {  	s15 =	simm.s32 $0x0;
	s7 =	sshll.u32 s2, $0x8;
	s8 =	sshll.u32 s6, $0x7  }
0x9: {  	[smem:$0x7FF] =	sst s3;
	s6 =	ssub.s32 $0x2, s6;
	s7 =	sor.u32 s8, s7  }
0xa: {  	_ =	strace $0x80000047;
	s30 =	sshrl.u32 s6, $0x1;
	s4 =	sadd.s32 s4, s7  }
0xb: {  	s8 =	sadd.s32 s7, s5;
	s31 =	ssub.s32 s6, s30;
	s5 =	sadd.s32 $0x6000, s4  }
0xc: {  	s6 =	sadd.s32 $0x1200, s8;
	s7 =	smax.u32 s31, $0x1;
	s8 =	simm.s32 $0x1C00  }
.LBB2_1:
0xd: {  	[tilespmem:s8], [sflag:$0x1] =	stream.linear.gather [hbm4b:s1+s3], $0x8100, $0x38;
	[tilespmem:$0xBD00] =	vst v63  }
0xe: {  	_ = 	snop  }
0xf: {  	[tilespmem:s3], [sflag:$0x2] =	stream.strided.gather [hbm4b:s4+s9], $0x1800, s10, s9, $0x38;
	[tilespmem:$0xBD00] =	vst v63  }
0x10: {  	_ = 	snop  }
0x11: {  	[tilespmem:s11], [sflag:$0x2] =	stream.linear.gather [hbm4b:s5+s3], $0x100, $0x38;
	[tilespmem:$0xBD00] =	vst v63  }
0x12: {  	_ =	swait.ge [sflag:s12], $0x1900  }
0x13: {  	[sflag:s12] =	ssyncset.done $0x0  }
0x14: {  	[sflag:s12] =	ssyncadd.s32 $0xFFFFE700  }
0x15: {  	_ =	swait.ge [sflag:s13], $0x8100  }
0x16: {  	[sflag:s13] =	ssyncset.done $0x0  }
0x17: {  	s16 =	simm.s32 $0x0;
	s17 =	simm.s32 $0x0;
	[sflag:s13] =	ssyncadd.s32 $0xFFFF7F00  }
.LBB2_2:
0x18: {  	v0 =	vmov s16;
	_ =	sdelay $0x3  }
0x19: {  	s18 =	simm.s32 $0x0  }
0x1a: {  	v1 =	vld.idx.msk [tilespmem:v0+s18+$0x0 ss:$0x1], $0xffff;
	_ =	sdelay $0x4  }
0x1b: {  	v2 =	vmul.u32 $0x21, v1;
	_ =	sdelay $0x1  }
0x1c: {  	v1 =	vadd.s32 $0x1, v2  }
0x1d: {  	v3 =	vadd.s32 $0x2, v2  }
0x1e: {  	v4 =	vadd.s32 $0x8, v2  }
0x1f: {  	v6 =	vadd.s32 $0x6, v2  }
0x20: {  	v11 =	vadd.s32 $0xB, v2;
	v5 =	vld.idx.msk [tilespmem:v2+s8+$0x0], $0xffff  }
0x21: {  	v10 =	vadd.s32 $0xA, v2;
	v7 =	vld.idx.msk [tilespmem:v1+s8+$0x0], $0xffff  }
0x22: {  	v12 =	vadd.s32 $0x9, v2;
	v3 =	vld.idx.msk [tilespmem:v3+s8+$0x0], $0xffff  }
0x23: {  	v8 =	vadd.s32 $0x5, v2;
	v4 =	vld.idx.msk [tilespmem:v4+s8+$0x0], $0xffff  }
0x24: {  	v9 =	vadd.s32 $0x7, v2;
	v13 =	vld.idx.msk [tilespmem:v6+s8+$0x0], $0xffff  }
0x25: {  	v23 =	vimm.f32 $0.0e+00;
	v19 =	vimm.f32 $0.0e+00;
	v24 =	vadd.s32 $0xF, v2;
	v29 =	vld.idx.msk [tilespmem:v11+s8+$0x0], $0xffff  }
0x26: {  	v18 =	vimm.f32 $0.0e+00;
	v33 =	vimm.f32 $0.0e+00;
	v14 =	vadd.s32 $0x4, v2;
	v36 =	vld.idx.msk [tilespmem:v10+s8+$0x0], $0xffff  }
0x27: {  	v32 =	vimm.f32 $0.0e+00;
	v27 =	vimm.f32 $0.0e+00;
	v30 =	vadd.s32 $0x3, v2;
	v39 =	vld.idx.msk [tilespmem:v12+s8+$0x0], $0xffff  }
0x28: {  	v31 =	vimm.f32 $0.0e+00;
	v35 =	vimm.f32 $0.0e+00;
	v17 =	vadd.s32 $0xD, v2;
	v43 =	vld.idx.msk [tilespmem:v8+s8+$0x0], $0xffff  }
0x29: {  	v38 =	vadd.s32 $0xE, v2;
	v37 =	vadd.s32 $0xC, v2;
	v1 =	vimm.f32 $0.0e+00;
	v42 =	vld.idx.msk [tilespmem:v9+s8+$0x0], $0xffff  }
0x2a: {  	v10 =	vimm.f32 $0.0e+00;
	v8 =	vimm.f32 $0.0e+00;
	v11 =	vimm.f32 $0.0e+00;
	v34 =	vld.idx.msk [tilespmem:v24+s8+$0x0], $0xffff  }
0x2b: {  	v9 =	vimm.f32 $0.0e+00;
	v12 =	vimm.f32 $0.0e+00;
	v40 =	vld.idx.msk [tilespmem:v14+s8+$0x0], $0xffff;
	v14 =	vimm.f32 $0.0e+00  }
0x2c: {  	v44 =	vld.idx.msk [tilespmem:v30+s8+$0x0], $0xffff;
	v24 =	vimm.f32 $0.0e+00;
	v2 =	vunpack.i.u.bf16.f32 v5;
	v5 =	vunpack.i.l.bf16.f32 v5  }
0x2d: {  	v30 =	vld.idx.msk [tilespmem:v17+s8+$0x0], $0xffff;
	v17 =	vimm.f32 $0.0e+00;
	v22 =	vadd.f32 v5, v1;
	v5 =	vunpack.i.u.bf16.f32 v3  }
0x2e: {  	v3 =	vunpack.i.l.bf16.f32 v3;
	v6 =	vunpack.i.u.bf16.f32 v7;
	v7 =	vunpack.i.l.bf16.f32 v7  }
0x2f: {  	v28 =	vadd.f32 v2, v1;
	v2 =	vunpack.i.u.bf16.f32 v13;
	v20 =	vadd.f32 v3, v1  }
0x30: {  	v41 =	vunpack.i.u.bf16.f32 v4;
	v25 =	vadd.f32 v6, v1;
	v21 =	vadd.f32 v5, v1  }
0x31: {  	v3 =	vunpack.i.l.bf16.f32 v4;
	v26 =	vadd.f32 v7, v1;
	v16 =	vadd.f32 v2, v1  }
0x32: {  	v2 =	vimm.f32 $0.0e+00;
	v4 =	vimm.f32 $0.0e+00;
	v5 =	vimm.f32 $0.0e+00  }
0x33: {  	v7 =	vimm.f32 $0.0e+00;
	v6 =	vadd.f32 v3, v1;
	v3 =	vunpack.i.l.bf16.f32 v13  }
0x34: {  	s19 =	simm.s32 $0x200;
	s18 =	sshll.u32 s17, $0x4;
	v13 =	vimm.f32 $0.0e+00;
	v15 =	vadd.f32 v3, v1;
	v3 =	vimm.f32 $0.0e+00  }
.LBB2_3:
0x35: {  	s20 =	sshra.s32 s19, $0x2;
	p0 =	sne.s32 s19, $0x6200;
	s19 =	sadd.s32 $0x200, s19;
	v45 =	vunpack.i.u.bf16.f32 v43;
	v46 =	vunpack.i.l.bf16.f32 v39;
	v47 =	vunpack.i.u.bf16.f32 v29;
	v38 =	vld.idx.msk [tilespmem:v38+s8+$0x0], $0xffff  }
0x36: {  	v43 =	vunpack.i.l.bf16.f32 v43;
	v39 =	vunpack.i.u.bf16.f32 v39;
	v48 =	vld.idx.msk [tilespmem:v0+s20+$0x0 ss:$0x1], $0xffff;
	v1 =	vadd.f32 v45, v1  }
0x37: {  	v23 =	vadd.f32 v43, v23;
	v43 =	vunpack.i.u.bf16.f32 v42;
	v10 =	vadd.f32 v46, v10  }
0x38: {  	v42 =	vunpack.i.l.bf16.f32 v42;
	v46 =	vunpack.i.l.bf16.f32 v36;
	v45 =	vunpack.i.l.bf16.f32 v44  }
0x39: {  	v18 =	vadd.f32 v41, v18;
	v36 =	vunpack.i.u.bf16.f32 v36;
	v19 =	vadd.f32 v43, v19  }
0x3a: {  	v13 =	vadd.f32 v39, v13;
	v43 =	vunpack.i.l.bf16.f32 v29;
	v41 =	vunpack.i.u.bf16.f32 v40  }
0x3b: {  	v39 =	vunpack.i.u.bf16.f32 v34;
	v8 =	vadd.f32 v36, v8;
	v36 =	vunpack.i.l.bf16.f32 v38;
	v29 =	vld.idx.msk [tilespmem:v37+s8+$0x0], $0xffff  }
0x3c: {  	v11 =	vadd.f32 v46, v11;
	v48 =	vmul.u32 $0x21, v48;
	v37 =	vunpack.i.u.bf16.f32 v44  }
0x3d: {  	v34 =	vunpack.i.l.bf16.f32 v34;
	v44 =	vunpack.i.u.bf16.f32 v30;
	v2 =	vadd.f32 v36, v2  }
0x3e: {  	v33 =	vadd.f32 v45, v33;
	v36 =	vadd.s32 $0x1, v48;
	v46 =	vadd.s32 $0x2, v48  }
0x3f: {  	v50 =	vunpack.i.u.bf16.f32 v38;
	v45 =	vadd.s32 $0x4, v48;
	v49 =	vadd.s32 $0x5, v48  }
0x40: {  	v32 =	vadd.f32 v37, v32;
	v51 =	vadd.s32 $0x7, v48;
	v52 =	vadd.s32 $0x8, v48  }
0x41: {  	v53 =	vadd.s32 $0xA, v48;
	v54 =	vadd.s32 $0xB, v48;
	v55 =	vunpack.i.l.bf16.f32 v29  }
0x42: {  	v9 =	vadd.f32 v47, v9;
	v57 =	vadd.s32 $0xD, v48;
	v38 =	vadd.s32 $0xE, v48;
	v56 =	vld.idx.msk [tilespmem:v48+s8+$0x0], $0xffff  }
0x43: {  	v27 =	vadd.f32 v42, v27;
	v58 =	vadd.s32 $0x6, v48;
	v59 =	vadd.s32 $0x9, v48;
	v47 =	vld.idx.msk [tilespmem:v36+s8+$0x0], $0xffff  }
0x44: {  	v40 =	vunpack.i.l.bf16.f32 v40;
	v3 =	vadd.f32 v50, v3;
	v42 =	vld.idx.msk [tilespmem:v46+s8+$0x0], $0xffff;
	v46 =	vunpack.i.u.bf16.f32 v29  }
0x45: {  	v4 =	vadd.f32 v34, v4;
	v31 =	vadd.f32 v41, v31;
	v37 =	vadd.s32 $0xC, v48;
	v50 =	vld.idx.msk [tilespmem:v52+s8+$0x0], $0xffff  }
0x46: {  	v5 =	vadd.f32 v39, v5;
	v34 =	vadd.s32 $0xF, v48;
	v12 =	vadd.f32 v55, v12;
	v29 =	vld.idx.msk [tilespmem:v54+s8+$0x0], $0xffff  }
0x47: {  	v7 =	vadd.f32 v44, v7;
	v41 =	vadd.s32 $0x3, v48;
	v14 =	vadd.f32 v46, v14;
	v36 =	vld.idx.msk [tilespmem:v53+s8+$0x0], $0xffff  }
0x48: {  	v35 =	vadd.f32 v40, v35;
	v46 =	vunpack.i.u.bf16.f32 v56;
	v39 =	vunpack.i.l.bf16.f32 v56;
	v48 =	vld.idx.msk [tilespmem:v58+s8+$0x0], $0xffff  }
0x49: {  	v24 =	vadd.f32 v43, v24;
	v30 =	vunpack.i.l.bf16.f32 v30;
	v22 =	vadd.f32 v39, v22;
	v39 =	vld.idx.msk [tilespmem:v59+s8+$0x0], $0xffff  }
0x4a: {  	v17 =	vadd.f32 v30, v17;
	v40 =	vunpack.i.u.bf16.f32 v42;
	v42 =	vunpack.i.l.bf16.f32 v42;
	v43 =	vld.idx.msk [tilespmem:v49+s8+$0x0], $0xffff  }
.Ltmp0:
0x4b: {  	v30 =	vunpack.i.u.bf16.f32 v47;
	v20 =	vadd.f32 v42, v20;
	v49 =	vunpack.i.l.bf16.f32 v50;
	v42 =	vld.idx.msk [tilespmem:v51+s8+$0x0], $0xffff;
	(pc) =	sbr.rel @p0 .LBB2_3-.Ltmp0, $4  }
0x4c: {  	v44 =	vunpack.i.l.bf16.f32 v47;
	v25 =	vadd.f32 v30, v25;
	v21 =	vadd.f32 v40, v21;
	v34 =	vld.idx.msk [tilespmem:v34+s8+$0x0], $0xffff  }
0x4d: {  	v26 =	vadd.f32 v44, v26;
	v6 =	vadd.f32 v49, v6;
	v44 =	vld.idx.msk [tilespmem:v41+s8+$0x0], $0xffff  }
0x4e: {  	v28 =	vadd.f32 v46, v28;
	v30 =	vunpack.i.u.bf16.f32 v48;
	v41 =	vunpack.i.l.bf16.f32 v48;
	v40 =	vld.idx.msk [tilespmem:v45+s8+$0x0], $0xffff  }
0x4f: {  	v15 =	vadd.f32 v41, v15;
	v16 =	vadd.f32 v30, v16;
	v41 =	vunpack.i.u.bf16.f32 v50;
	v30 =	vld.idx.msk [tilespmem:v57+s8+$0x0], $0xffff  }
0x50: {  	_ =	sdelay $0x3  }
0x51: {  	v38 =	vld.idx.msk [tilespmem:v38+s8+$0x0], $0xffff  }
0x52: {  	v37 =	vld.idx.msk [tilespmem:v37+s8+$0x0], $0xffff;
	[tilespmem:s18+$0x9D00] =	vst v22  }
0x53: {  	[tilespmem:s18+$0x9D80] =	vst v28  }
0x54: {  	[tilespmem:s18+$0x9E00] =	vst v26  }
0x55: {  	[tilespmem:s18+$0x9E80] =	vst v25  }
0x56: {  	[tilespmem:s18+$0x9F00] =	vst v20  }
0x57: {  	[tilespmem:s18+$0x9F80] =	vst v21  }
0x58: {  	[tilespmem:s18+$0xA500] =	vst v6  }
0x59: {  	v6 =	vunpack.i.l.bf16.f32 v36;
	[tilespmem:s18+$0xA380] =	vst v16;
	v16 =	vadd.f32 v41, v18  }
0x5a: {  	[tilespmem:s18+$0xA300] =	vst v15;
	v15 =	vunpack.i.l.bf16.f32 v39;
	v6 =	vadd.f32 v6, v11  }
0x5b: {  	v22 =	vunpack.i.l.bf16.f32 v44;
	v10 =	vadd.f32 v15, v10;
	[tilespmem:s18+$0xA580] =	vst v16  }
0x5c: {  	v25 =	vunpack.i.u.bf16.f32 v44;
	v22 =	vadd.f32 v22, v33;
	[tilespmem:s18+$0xA700] =	vst v6  }
0x5d: {  	v20 =	vadd.f32 v25, v32;
	v25 =	vunpack.i.l.bf16.f32 v40;
	[tilespmem:s18+$0xA600] =	vst v10  }
0x5e: {  	v21 =	vunpack.i.u.bf16.f32 v40;
	v25 =	vadd.f32 v25, v35;
	[tilespmem:s18+$0xA000] =	vst v22  }
0x5f: {  	v21 =	vadd.f32 v21, v31;
	[tilespmem:s18+$0xA080] =	vst v20;
	v20 =	vunpack.i.u.bf16.f32 v43  }
0x60: {  	v10 =	vunpack.i.l.bf16.f32 v29;
	[tilespmem:s18+$0xA100] =	vst v25;
	v1 =	vadd.f32 v20, v1  }
0x61: {  	v22 =	vunpack.i.l.bf16.f32 v43;
	v10 =	vadd.f32 v10, v24;
	[tilespmem:s18+$0xA180] =	vst v21  }
0x62: {  	v22 =	vadd.f32 v22, v23;
	[tilespmem:s18+$0xA280] =	vst v1;
	v1 =	vunpack.i.u.bf16.f32 v42  }
0x63: {  	v6 =	vunpack.i.l.bf16.f32 v37;
	[tilespmem:s18+$0xA800] =	vst v10;
	v1 =	vadd.f32 v1, v19  }
0x64: {  	v20 =	vunpack.i.l.bf16.f32 v42;
	v6 =	vadd.f32 v6, v12;
	[tilespmem:s18+$0xA200] =	vst v22  }
0x65: {  	v20 =	vadd.f32 v20, v27;
	[tilespmem:s18+$0xA480] =	vst v1;
	v1 =	vunpack.i.u.bf16.f32 v39  }
0x66: {  	[tilespmem:s18+$0xA900] =	vst v6;
	v6 =	vunpack.i.l.bf16.f32 v38;
	v1 =	vadd.f32 v1, v13  }
0x67: {  	[tilespmem:s18+$0xA400] =	vst v20;
	v2 =	vadd.f32 v6, v2;
	v13 =	vunpack.i.u.bf16.f32 v36  }
0x68: {  	v8 =	vadd.f32 v13, v8;
	[tilespmem:s18+$0xA680] =	vst v1;
	v1 =	vunpack.i.u.bf16.f32 v29  }
0x69: {  	v6 =	vunpack.i.u.bf16.f32 v38;
	[tilespmem:s18+$0xAB00] =	vst v2;
	v1 =	vadd.f32 v1, v9  }
0x6a: {  	v3 =	vadd.f32 v6, v3;
	[tilespmem:s18+$0xA780] =	vst v8;
	v8 =	vunpack.i.u.bf16.f32 v37  }
0x6b: {  	v8 =	vadd.f32 v8, v14;
	[tilespmem:s18+$0xA880] =	vst v1;
	v1 =	vunpack.i.u.bf16.f32 v30  }
0x6c: {  	[tilespmem:s18+$0xAB80] =	vst v3;
	v9 =	vunpack.i.l.bf16.f32 v30;
	v1 =	vadd.f32 v1, v7  }
0x6d: {  	v9 =	vadd.f32 v9, v17;
	[tilespmem:s18+$0xA980] =	vst v8;
	v7 =	vunpack.i.l.bf16.f32 v34  }
0x6e: {  	v4 =	vadd.f32 v7, v4;
	[tilespmem:s18+$0xAA80] =	vst v1;
	v1 =	vunpack.i.u.bf16.f32 v34  }
0x6f: {  	[tilespmem:s18+$0xAA00] =	vst v9;
	v1 =	vadd.f32 v1, v5  }
0x70: {  	[tilespmem:s18+$0xAC00] =	vst v4  }
0x71: {  	s19 =	simm.s32 $0x0;
	[tilespmem:s18+$0xAC80] =	vst v1  }
0x72: {  	v1 =	vld.idx.msk [tilespmem:v0+s19+$0x0 ss:$0x1], $0xffff;
	_ =	sdelay $0x4  }
0x73: {  	v2 =	vmul.u32 $0x21, v1;
	_ =	sdelay $0x1  }
0x74: {  	v1 =	vadd.s32 $0x11, v2  }
0x75: {  	v3 =	vadd.s32 $0x10, v2  }
0x76: {  	s31 =	simm.s32 $0x80;
	v4 =	vadd.s32 $0x13, v2  }
0x77: {  	v24 =	vld.idx.msk [tilespmem:v0+s31+$0x0 ss:$0x1], $0xffff;
	v16 =	vadd.s32 $0x1D, v2  }
0x78: {  	v7 =	vadd.s32 $0x16, v2  }
0x79: {  	v10 =	vadd.s32 $0x12, v2;
	v8 =	vld.idx.msk [tilespmem:v1+s8+$0x0], $0xffff  }
0x7a: {  	v5 =	vadd.s32 $0x1C, v2;
	v12 =	vadd.s32 $0x15, v2;
	v3 =	vld.idx.msk [tilespmem:v3+s8+$0x0], $0xffff  }
0x7b: {  	v6 =	vadd.s32 $0x18, v2;
	v9 =	vadd.s32 $0x17, v2;
	v11 =	vadd.s32 $0x14, v2;
	v4 =	vld.idx.msk [tilespmem:v4+s8+$0x0], $0xffff  }
0x7c: {  	v13 =	vadd.s32 $0x19, v2;
	v14 =	vadd.s32 $0x1A, v2;
	v40 =	vld.idx.msk [tilespmem:v16+s8+$0x0], $0xffff;
	v16 =	vmul.u32 $0x21, v24  }
0x7d: {  	v17 =	vadd.s32 $0x1F, v2;
	v15 =	vadd.s32 $0x1B, v2;
	v2 =	vadd.s32 $0x1E, v2;
	v7 =	vld.idx.msk [tilespmem:v7+s8+$0x0], $0xffff  }
0x7e: {  	v1 =	vimm.f32 $0.0e+00;
	v10 =	vld.idx.msk [tilespmem:v10+s8+$0x0], $0xffff;
	v24 =	vadd.s32 $0x11, v16;
	v47 =	vadd.s32 $0x14, v16  }
0x7f: {  	v12 =	vld.idx.msk [tilespmem:v12+s8+$0x0], $0xffff;
	v60 =	vadd.s32 $0x16, v16;
	v31 =	vadd.s32 $0x17, v16;
	v50 =	vadd.s32 $0x19, v16  }
0x80: {  	v21 =	vld.idx.msk [tilespmem:v11+s8+$0x0], $0xffff;
	v38 =	vadd.s32 $0x1A, v16;
	v61 =	vadd.s32 $0x1C, v16;
	v35 =	vadd.s32 $0x1D, v16  }
0x81: {  	v23 =	vld.idx.msk [tilespmem:v14+s8+$0x0], $0xffff;
	v48 =	vadd.s32 $0x18, v16;
	v36 =	vadd.s32 $0x1F, v16;
	v51 =	vadd.s32 $0x1B, v16  }
0x82: {  	v22 =	vld.idx.msk [tilespmem:v2+s8+$0x0], $0xffff;
	v52 =	vadd.s32 $0x12, v16;
	v53 =	vadd.s32 $0x1E, v16;
	v55 =	vadd.s32 $0x15, v16  }
0x83: {  	v18 =	vld.idx.msk [tilespmem:v9+s8+$0x0], $0xffff;
	v9 =	vunpack.i.u.bf16.f32 v8;
	v8 =	vunpack.i.l.bf16.f32 v8;
	v19 =	vunpack.i.l.bf16.f32 v3  }
0x84: {  	v6 =	vld.idx.msk [tilespmem:v6+s8+$0x0], $0xffff;
	v3 =	vunpack.i.u.bf16.f32 v3;
	v2 =	vunpack.i.u.bf16.f32 v7;
	v14 =	vunpack.i.u.bf16.f32 v10  }
0x85: {  	v25 =	vunpack.i.l.bf16.f32 v12;
	v27 =	vunpack.i.l.bf16.f32 v7;
	v29 =	vunpack.i.u.bf16.f32 v21  }
0x86: {  	v58 =	vunpack.i.l.bf16.f32 v10;
	v39 =	vunpack.i.u.bf16.f32 v23;
	v10 =	vadd.s32 $0x10, v16  }
0x87: {  	v5 =	vld.idx.msk [tilespmem:v5+s8+$0x0], $0xffff;
	v59 =	vunpack.i.l.bf16.f32 v22;
	v23 =	vunpack.i.l.bf16.f32 v23;
	v20 =	vadd.f32 v19, v1  }
0x88: {  	v19 =	vunpack.i.u.bf16.f32 v4;
	v4 =	vunpack.i.l.bf16.f32 v4;
	v26 =	vadd.f32 v9, v1  }
0x89: {  	v33 =	vadd.f32 v8, v1;
	v8 =	vunpack.i.u.bf16.f32 v6;
	v37 =	vadd.f32 v3, v1  }
0x8a: {  	v6 =	vunpack.i.l.bf16.f32 v6;
	v3 =	vld.idx.msk [tilespmem:v15+s8+$0x0], $0xffff;
	v9 =	vadd.f32 v2, v1;
	v15 =	vadd.f32 v14, v1  }
0x8b: {  	v14 =	vadd.f32 v25, v1;
	v25 =	vadd.s32 $0x13, v16;
	v16 =	vunpack.i.l.bf16.f32 v21  }
0x8c: {  	v7 =	vld.idx.msk [tilespmem:v13+s8+$0x0], $0xffff;
	v21 =	vadd.f32 v39, v1;
	v28 =	vadd.f32 v19, v1;
	v19 =	vunpack.i.u.bf16.f32 v5  }
0x8d: {  	v46 =	vadd.f32 v6, v1;
	v11 =	vadd.f32 v4, v1;
	v4 =	vunpack.i.u.bf16.f32 v18  }
0x8e: {  	v5 =	vunpack.i.l.bf16.f32 v5;
	v6 =	vadd.f32 v8, v1;
	v8 =	vunpack.i.u.bf16.f32 v12  }
0x8f: {  	v12 =	vunpack.i.u.bf16.f32 v22;
	v62 =	vld.idx.msk [tilespmem:v24+s8+$0x0], $0xffff;
	v22 =	vadd.f32 v27, v1;
	v24 =	vadd.f32 v29, v1  }
0x90: {  	v18 =	vunpack.i.l.bf16.f32 v18;
	v27 =	vadd.f32 v58, v1;
	v4 =	vadd.f32 v4, v1  }
0x91: {  	v30 =	vld.idx.msk [tilespmem:v17+s8+$0x0], $0xffff;
	v2 =	vadd.f32 v5, v1;
	v13 =	vadd.f32 v8, v1;
	v17 =	vunpack.i.u.bf16.f32 v7  }
0x92: {  	v48 =	vld.idx.msk [tilespmem:v48+s8+$0x0], $0xffff;
	v63 =	vunpack.i.l.bf16.f32 v7;
	v7 =	vadd.f32 v19, v1;
	v19 =	vadd.f32 v18, v1  }
0x93: {  	v45 =	vunpack.i.u.bf16.f32 v40;
	v49 =	vld.idx.msk [tilespmem:v10+s8+$0x0], $0xffff;
	v10 =	vadd.f32 v12, v1;
	v18 =	vadd.f32 v23, v1  }
0x94: {  	v43 =	vld.idx.msk [tilespmem:v60+s8+$0x0], $0xffff;
	v12 =	vadd.f32 v59, v1;
	v5 =	vunpack.i.u.bf16.f32 v3;
	v17 =	vadd.f32 v17, v1  }
0x95: {  	v3 =	vunpack.i.l.bf16.f32 v3;
	v54 =	vld.idx.msk [tilespmem:v25+s8+$0x0], $0xffff;
	v25 =	vadd.f32 v16, v1;
	v16 =	vadd.f32 v45, v1  }
0x96: {  	v32 =	vunpack.i.l.bf16.f32 v30;
	v31 =	vld.idx.msk [tilespmem:v31+s8+$0x0], $0xffff;
	v5 =	vadd.f32 v5, v1;
	v8 =	vadd.f32 v3, v1  }
0x97: {  	v34 =	vld.idx.msk [tilespmem:v61+s8+$0x0], $0xffff;
	v3 =	vunpack.i.u.bf16.f32 v30;
	v30 =	vunpack.i.u.bf16.f32 v62;
	v56 =	vunpack.i.l.bf16.f32 v62  }
0x98: {  	v41 =	vld.idx.msk [tilespmem:v47+s8+$0x0], $0xffff;
	v47 =	vunpack.i.u.bf16.f32 v48;
	v3 =	vadd.f32 v3, v1;
	v30 =	vadd.f32 v30, v26  }
0x99: {  	v44 =	vld.idx.msk [tilespmem:v52+s8+$0x0], $0xffff;
	v33 =	vadd.f32 v56, v33;
	v26 =	vunpack.i.l.bf16.f32 v48;
	v48 =	vunpack.i.u.bf16.f32 v43  }
0x9a: {  	v42 =	vld.idx.msk [tilespmem:v51+s8+$0x0], $0xffff;
	v26 =	vadd.f32 v26, v46;
	v57 =	vunpack.i.u.bf16.f32 v49;
	v23 =	vunpack.i.l.bf16.f32 v49  }
0x9b: {  	v45 =	vld.idx.msk [tilespmem:v55+s8+$0x0], $0xffff;
	v29 =	vadd.f32 v23, v20;
	v23 =	vadd.f32 v63, v1;
	v20 =	vunpack.i.l.bf16.f32 v40  }
0x9c: {  	v39 =	vld.idx.msk [tilespmem:v53+s8+$0x0], $0xffff;
	v63 =	vunpack.i.u.bf16.f32 v54;
	v49 =	vunpack.i.l.bf16.f32 v54;
	v37 =	vadd.f32 v57, v37  }
0x9d: {  	s19 =	simm.s32 $0x400;
	v46 =	vld.idx.msk [tilespmem:v50+s8+$0x0], $0xffff;
	v40 =	vunpack.i.u.bf16.f32 v34;
	v20 =	vadd.f32 v20, v1;
	v28 =	vadd.f32 v63, v28  }
.LBB2_5:
0x9e: {  	s20 =	sshra.s32 s19, $0x2;
	p0 =	sne.s32 s19, $0x6200;
	s19 =	sadd.s32 $0x200, s19;
	v11 =	vadd.f32 v49, v11;
	v49 =	vunpack.i.u.bf16.f32 v31;
	v50 =	vld.idx.msk [tilespmem:v38+s8+$0x0], $0xffff;
	v34 =	vunpack.i.l.bf16.f32 v34  }
0x9f: {  	v51 =	vunpack.i.u.bf16.f32 v44;
	v1 =	vadd.f32 v32, v1;
	v38 =	vld.idx.msk [tilespmem:v0+s20+$0x0 ss:$0x1], $0xffff;
	v4 =	vadd.f32 v49, v4  }
0xa0: {  	v32 =	vunpack.i.l.bf16.f32 v45;
	v43 =	vunpack.i.l.bf16.f32 v43;
	v6 =	vadd.f32 v47, v6;
	v47 =	vld.idx.msk [tilespmem:v35+s8+$0x0], $0xffff  }
0xa1: {  	v9 =	vadd.f32 v48, v9;
	v31 =	vunpack.i.l.bf16.f32 v31;
	v49 =	vunpack.i.u.bf16.f32 v41;
	v48 =	vld.idx.msk [tilespmem:v36+s8+$0x0], $0xffff  }
0xa2: {  	v2 =	vadd.f32 v34, v2;
	v35 =	vunpack.i.u.bf16.f32 v45;
	v34 =	vunpack.i.u.bf16.f32 v39  }
0xa3: {  	v15 =	vadd.f32 v51, v15;
	v36 =	vunpack.i.u.bf16.f32 v42;
	v42 =	vunpack.i.l.bf16.f32 v42  }
0xa4: {  	v44 =	vunpack.i.l.bf16.f32 v44;
	v13 =	vadd.f32 v35, v13;
	v45 =	vunpack.i.u.bf16.f32 v50  }
0xa5: {  	v14 =	vadd.f32 v32, v14;
	v5 =	vadd.f32 v36, v5;
	v51 =	vmul.u32 $0x21, v38  }
0xa6: {  	v32 =	vunpack.i.u.bf16.f32 v46;
	v46 =	vunpack.i.l.bf16.f32 v46;
	v8 =	vadd.f32 v42, v8  }
0xa7: {  	v7 =	vadd.f32 v40, v7;
	v42 =	vadd.s32 $0x10, v51;
	v36 =	vadd.s32 $0x11, v51  }
0xa8: {  	v39 =	vunpack.i.l.bf16.f32 v39;
	v40 =	vadd.s32 $0x13, v51;
	v52 =	vadd.s32 $0x14, v51  }
0xa9: {  	v53 =	vadd.s32 $0x16, v51;
	v54 =	vadd.s32 $0x17, v51;
	v55 =	vunpack.i.u.bf16.f32 v48  }
0xaa: {  	v57 =	vunpack.i.u.bf16.f32 v47;
	v56 =	vadd.s32 $0x19, v51;
	v38 =	vadd.s32 $0x1A, v51  }
0xab: {  	v58 =	vadd.s32 $0x1C, v51;
	v35 =	vadd.s32 $0x1D, v51;
	v3 =	vadd.f32 v55, v3  }
0xac: {  	v50 =	vunpack.i.l.bf16.f32 v50;
	v59 =	vadd.s32 $0x18, v51;
	v55 =	vld.idx.msk [tilespmem:v36+s8+$0x0], $0xffff;
	v36 =	vadd.s32 $0x1F, v51  }
0xad: {  	v22 =	vadd.f32 v43, v22;
	v19 =	vadd.f32 v31, v19;
	v60 =	vadd.s32 $0x1B, v51;
	v42 =	vld.idx.msk [tilespmem:v42+s8+$0x0], $0xffff  }
0xae: {  	v10 =	vadd.f32 v34, v10;
	v61 =	vadd.s32 $0x12, v51;
	v31 =	vld.idx.msk [tilespmem:v54+s8+$0x0], $0xffff;
	v54 =	vadd.s32 $0x1E, v51  }
0xaf: {  	v24 =	vadd.f32 v49, v24;
	v17 =	vadd.f32 v32, v17;
	v51 =	vadd.s32 $0x15, v51;
	v40 =	vld.idx.msk [tilespmem:v40+s8+$0x0], $0xffff  }
0xb0: {  	v12 =	vadd.f32 v39, v12;
	v32 =	vunpack.i.l.bf16.f32 v41;
	v18 =	vadd.f32 v50, v18;
	v34 =	vld.idx.msk [tilespmem:v58+s8+$0x0], $0xffff  }
0xb1: {  	v27 =	vadd.f32 v44, v27;
	v25 =	vadd.f32 v32, v25;
	v32 =	vunpack.i.l.bf16.f32 v48;
	v39 =	vld.idx.msk [tilespmem:v59+s8+$0x0], $0xffff  }
0xb2: {  	v21 =	vadd.f32 v45, v21;
	v41 =	vunpack.i.u.bf16.f32 v55;
	v48 =	vunpack.i.l.bf16.f32 v55;
	v43 =	vld.idx.msk [tilespmem:v53+s8+$0x0], $0xffff  }
0xb3: {  	v16 =	vadd.f32 v57, v16;
	v50 =	vunpack.i.u.bf16.f32 v42;
	v42 =	vunpack.i.l.bf16.f32 v42;
	v44 =	vld.idx.msk [tilespmem:v61+s8+$0x0], $0xffff  }
.Ltmp1:
0xb4: {  	v23 =	vadd.f32 v46, v23;
	v46 =	vunpack.i.l.bf16.f32 v47;
	v29 =	vadd.f32 v42, v29;
	v45 =	vld.idx.msk [tilespmem:v51+s8+$0x0], $0xffff;
	(pc) =	sbr.rel @p0 .LBB2_5-.Ltmp1, $4  }
0xb5: {  	v20 =	vadd.f32 v46, v20;
	v47 =	vunpack.i.u.bf16.f32 v40;
	v49 =	vunpack.i.l.bf16.f32 v40;
	v42 =	vld.idx.msk [tilespmem:v60+s8+$0x0], $0xffff  }
0xb6: {  	v30 =	vadd.f32 v41, v30;
	v28 =	vadd.f32 v47, v28;
	v40 =	vunpack.i.u.bf16.f32 v34;
	v41 =	vld.idx.msk [tilespmem:v52+s8+$0x0], $0xffff  }
0xb7: {  	v33 =	vadd.f32 v48, v33;
	v47 =	vunpack.i.u.bf16.f32 v39;
	v46 =	vunpack.i.l.bf16.f32 v39;
	v39 =	vld.idx.msk [tilespmem:v54+s8+$0x0], $0xffff  }
0xb8: {  	v37 =	vadd.f32 v50, v37;
	v48 =	vunpack.i.u.bf16.f32 v43;
	v26 =	vadd.f32 v46, v26;
	v46 =	vld.idx.msk [tilespmem:v56+s8+$0x0], $0xffff  }
0xb9: {  	_ =	sdelay $0x3  }
0xba: {  	v0 =	vld.idx.msk [tilespmem:v38+s8+$0x0], $0xffff  }
0xbb: {  	v35 =	vld.idx.msk [tilespmem:v35+s8+$0x0], $0xffff  }
0xbc: {  	v36 =	vld.idx.msk [tilespmem:v36+s8+$0x0], $0xffff;
	[tilespmem:s18+$0xAD00] =	vst v29  }
0xbd: {  	[tilespmem:s18+$0xAE00] =	vst v33  }
0xbe: {  	[tilespmem:s18+$0xAE80] =	vst v30  }
0xbf: {  	[tilespmem:s18+$0xB080] =	vst v28  }
0xc0: {  	v11 =	vadd.f32 v49, v11;
	[tilespmem:s18+$0xAD80] =	vst v37  }
0xc1: {  	v9 =	vadd.f32 v48, v9;
	[tilespmem:s18+$0xB500] =	vst v26  }
0xc2: {  	v6 =	vadd.f32 v47, v6;
	[tilespmem:s18+$0xB000] =	vst v11  }
0xc3: {  	v62 =	vunpack.i.l.bf16.f32 v44;
	v56 =	vadd.f32 v40, v7;
	[tilespmem:s18+$0xB380] =	vst v9  }
0xc4: {  	v63 =	vunpack.i.u.bf16.f32 v44;
	v27 =	vadd.f32 v62, v27;
	[tilespmem:s18+$0xB580] =	vst v6  }
0xc5: {  	v54 =	vunpack.i.l.bf16.f32 v34;
	v15 =	vadd.f32 v63, v15;
	[tilespmem:s18+$0xB980] =	vst v56  }
0xc6: {  	v38 =	vunpack.i.l.bf16.f32 v45;
	v55 =	vadd.f32 v54, v2;
	[tilespmem:s18+$0xAF00] =	vst v27  }
0xc7: {  	v43 =	vunpack.i.l.bf16.f32 v43;
	v11 =	vadd.f32 v38, v14;
	[tilespmem:s18+$0xAF80] =	vst v15  }
0xc8: {  	v52 =	vunpack.i.l.bf16.f32 v42;
	v14 =	vadd.f32 v43, v22;
	[tilespmem:s18+$0xB900] =	vst v55  }
0xc9: {  	v33 =	vunpack.i.l.bf16.f32 v41;
	v8 =	vadd.f32 v52, v8;
	[tilespmem:s18+$0xB200] =	vst v11  }
0xca: {  	v37 =	vunpack.i.u.bf16.f32 v41;
	v25 =	vadd.f32 v33, v25;
	[tilespmem:s18+$0xB300] =	vst v14  }
0xcb: {  	v41 =	vunpack.i.u.bf16.f32 v45;
	v15 =	vadd.f32 v37, v24;
	[tilespmem:s18+$0xB800] =	vst v8  }
0xcc: {  	v45 =	vunpack.i.u.bf16.f32 v31;
	v13 =	vadd.f32 v41, v13;
	[tilespmem:s18+$0xB100] =	vst v25  }
0xcd: {  	v44 =	vunpack.i.l.bf16.f32 v31;
	v4 =	vadd.f32 v45, v4;
	[tilespmem:s18+$0xB180] =	vst v15  }
0xce: {  	v60 =	vunpack.i.u.bf16.f32 v39;
	v11 =	vadd.f32 v44, v19;
	[tilespmem:s18+$0xB280] =	vst v13  }
0xcf: {  	v48 =	vunpack.i.l.bf16.f32 v46;
	v2 =	vadd.f32 v60, v10;
	[tilespmem:s18+$0xB480] =	vst v4  }
0xd0: {  	v49 =	vunpack.i.u.bf16.f32 v46;
	v9 =	vadd.f32 v48, v23;
	[tilespmem:s18+$0xB400] =	vst v11  }
0xd1: {  	v50 =	vunpack.i.l.bf16.f32 v0;
	v4 =	vadd.f32 v49, v17;
	[tilespmem:s18+$0xBB80] =	vst v2  }
0xd2: {  	v1 =	vadd.f32 v32, v1;
	v0 =	vunpack.i.u.bf16.f32 v0;
	v51 =	vadd.f32 v50, v18;
	[tilespmem:s18+$0xB600] =	vst v9  }
0xd3: {  	v61 =	vunpack.i.l.bf16.f32 v36;
	v0 =	vadd.f32 v0, v21;
	[tilespmem:s18+$0xB680] =	vst v4  }
0xd4: {  	v62 =	vunpack.i.u.bf16.f32 v36;
	v1 =	vadd.f32 v61, v1;
	[tilespmem:s18+$0xB700] =	vst v51  }
0xd5: {  	s17 =	sadd.s32 $0x1, s17;
	v53 =	vunpack.i.u.bf16.f32 v42;
	v63 =	vadd.f32 v62, v3;
	[tilespmem:s18+$0xB780] =	vst v0  }
0xd6: {  	p0 =	sne.s32 s17, $0x8;
	v57 =	vunpack.i.l.bf16.f32 v35;
	v4 =	vadd.f32 v53, v5;
	[tilespmem:s18+$0xBC00] =	vst v1  }
.Ltmp2:
0xd7: {  	v59 =	vunpack.i.l.bf16.f32 v39;
	v5 =	vadd.f32 v57, v20;
	[tilespmem:s18+$0xBC80] =	vst v63;
	(pc) =	sbr.rel @p0 .LBB2_2-.Ltmp2, $4  }
0xd8: {  	v58 =	vunpack.i.u.bf16.f32 v35;
	v0 =	vadd.f32 v59, v12;
	[tilespmem:s18+$0xB880] =	vst v4  }
0xd9: {  	v4 =	vadd.f32 v58, v16;
	[tilespmem:s18+$0xBA00] =	vst v5  }
0xda: {  	[tilespmem:s18+$0xBB00] =	vst v0  }
0xdb: {  	s16 =	sadd.s32 $0x10, s16;
	[tilespmem:s18+$0xBA80] =	vst v4  }
0xdc: {  	s15 =	sadd.s32 $0x1, s15  }
0xdd: {  	p0 =	sne.s32 s15, s7  }
.Ltmp3:
0xde: {  	_ = 	snop;
	(pc) =	sbr.rel @p0 .LBB2_1-.Ltmp3, $4  }
0xdf: {  	[hbm4b:s6+s9] =	stream.strided.scatter [tilespmem:s14], [sflag:$0x2], $0x2000, s10, s9, $0x38;
	[tilespmem:$0xBD00] =	vst v63  }
0xe0: {  	_ =	swait.ge [sflag:s12], $0x2000  }
0xe1: {  	[sflag:s12] =	ssyncset.done $0x0  }
0xe2: {  	[sflag:s12] =	ssyncadd.s32 $0xFFFFE000  }
0xe3: {  	_ =	sfence.sel $0x180000  }
0xe4: {  	[bflag:$0x0] =	sbarrier.arrive $0xFFFF  }
0xe5: {  	p0 =	sne.s32 s2, $0x0;
	_ =	strace $0x90000047  }
0xe6: {  	s0 =	sadd.s32 @!p0 $0x100000, s0;
	[bflag:$0x2] =	sbarrier.arrive $0xFFFF  }
0xe7: {  	[sflag:s0] =	ssyncadd.tile.s32 @!p0 $0x1;
	_ =	shalt  }
.Lfunc_end2:
_tile_overlayer_lowered:
.L_overlay_start_2:
0xe8: {  	(tag) =	ssettag $0x2  }
0xe9: {  	s0 =	rddreg [dreg:$0x0];
	s2 =	stileid.u32  }
0xea: {  	s1 =	rddreg [dreg:$0x1];
	p0 =	sne.s32 s2, $0x0  }
0xeb: {  	s3 =	rddreg [dreg:$0x2];
	[bflag:$0x3] =	sbarrier.arrive $0xFFFF;
	s2 =	simm.s32 @!p0 $0x1C02  }
0xec: {  	[timem:s3], [sflag:s2] =	dma.local @!p0 [hbm:s0], s1  }
0xed: {  	s0 =	simm.s32 @!p0 $0x2  }
0xee: {  	_ =	swait.ge @!p0 [sflag:s0], s1  }
0xef: {  	s1 =	ssub.s32 @!p0 $0x0, s1;
	[sflag:s0] =	ssyncset.done @!p0 $0x0  }
0xf0: {  	[sflag:s0] =	ssyncadd.s32 @!p0 s1  }
0xf1: {  	[bflag:$0x3] =	sbarrier.arrive $0xFFFF  }
0xf2: {  	_ =	shalt  }

</sc_bundles>
